<compile_context>
chip_gen: v7x
topology: tpu7x:2x2x1
jax: 0.10.2.dev20260603
libtpu: 0.0.44.dev20260713+nightly
codegen_flags: <defaults>
</compile_context>

<pallas_src>
import functools

import jax
import jax.numpy as jnp
from jax import lax
from jax.experimental import pallas as pl
from jax.experimental.pallas import tpu as pltpu
from jax.experimental.pallas import tpu_sc as plsc

_C = 2048
_CS = 128
_NW = 32


@functools.lru_cache(maxsize=None)
def _build_interp(n_points, vol_shape):
    D, H, W = vol_shape
    n_per_w = n_points // _NW
    T = n_per_w // _C
    assert T % 2 == 0
    mesh = plsc.VectorSubcoreMesh(core_axis_name="c", subcore_axis_name="s")

    @functools.partial(
        pl.kernel,
        out_type=jax.ShapeDtypeStruct((n_points,), jnp.float32),
        mesh=mesh,
        compiler_params=pltpu.CompilerParams(needs_layout_passes=False),
        scratch_types=[
            pltpu.VMEM((_CS, 3), jnp.float32),
            pltpu.VMEM((_CS, 3), jnp.float32),
            pltpu.VMEM((_C,), jnp.float32),
            pltpu.VMEM((_C,), jnp.float32),
            pltpu.VMEM((_C,), jnp.float32),
            pltpu.VMEM((8 * _C,), jnp.int32),
            pltpu.VMEM((8 * _C,), jnp.int32),
            pltpu.VMEM((8 * _C,), jnp.float32),
            pltpu.VMEM((8 * _C,), jnp.float32),
            pltpu.VMEM((3 * _C,), jnp.float32),
            pltpu.VMEM((3 * _C,), jnp.float32),
            pltpu.VMEM((_C,), jnp.float32),
            pltpu.SemaphoreType.DMA,
            pltpu.SemaphoreType.DMA,
            pltpu.SemaphoreType.DMA,
            pltpu.SemaphoreType.DMA,
        ],
    )
    def interp_kernel(coords_hbm, lin_hbm, out_hbm,
                      cv_a, cv_b, z_v, y_v, x_v, idx_a, idx_b, g_a, g_b,
                      w_a, w_b, o_v, sem_a, sem_b, cs_a, cs_b):
        wid = lax.axis_index("s") * 2 + lax.axis_index("c")
        wbase = wid * n_per_w
        lane = lax.iota(jnp.int32, 16)
        zero16 = lane * 0

        cbufs = None

        def load_coords(t):
            base = wbase + t * _C
            nsub = _C // _CS
            pltpu.async_copy(coords_hbm.at[pl.ds(base, _CS), :], cv_a, cs_a)

            def csub2(s2, carry0):
                for cpar in (0, 1):
                    s = s2 * 2 + cpar
                    cv_cur, cs_cur = cbufs[cpar]
                    cv_nxt, cs_nxt = cbufs[1 - cpar]

                    @pl.when(s + 1 < nsub)
                    def _():
                        pltpu.async_copy(
                            coords_hbm.at[pl.ds(base + (s + 1) * _CS, _CS), :],
                            cv_nxt, cs_nxt,
                        )

                    pltpu.make_async_copy(
                        coords_hbm.at[pl.ds(base + s * _CS, _CS), :],
                        cv_cur, cs_cur,
                    ).wait()

                    def grp0(g, carry00):
                        p = g * 16
                        q = s * _CS + p
                        z_v[pl.ds(q, 16)] = plsc.load_gather(cv_cur, [p + lane, zero16])
                        y_v[pl.ds(q, 16)] = plsc.load_gather(cv_cur, [p + lane, zero16 + 1])
                        x_v[pl.ds(q, 16)] = plsc.load_gather(cv_cur, [p + lane, zero16 + 2])
                        return carry00

                    lax.fori_loop(0, _CS // 16, grp0, 0)
                return carry0

            lax.fori_loop(0, _C // (2 * _CS), csub2, 0)

        def p1(idx_v, w_v):
            def body(g, carry1):
                p = g * 16
                sz = z_v[pl.ds(p, 16)] * float(D - 1)
                sy = y_v[pl.ds(p, 16)] * float(H - 1)
                sx = x_v[pl.ds(p, 16)] * float(W - 1)
                iz = jnp.minimum(sz.astype(jnp.int32), D - 2)
                iy = jnp.minimum(sy.astype(jnp.int32), H - 2)
                ix = jnp.minimum(sx.astype(jnp.int32), W - 2)
                w_v[pl.ds(p, 16)] = sz - iz.astype(jnp.float32)
                w_v[pl.ds(_C + p, 16)] = sy - iy.astype(jnp.float32)
                w_v[pl.ds(2 * _C + p, 16)] = sx - ix.astype(jnp.float32)
                l = (iz * H + iy) * W + ix
                e = (p + lane) * 8
                plsc.store_scatter(idx_v, [e], l)
                plsc.store_scatter(idx_v, [e + 1], l + 1)
                plsc.store_scatter(idx_v, [e + 2], l + W)
                plsc.store_scatter(idx_v, [e + 3], l + (W + 1))
                plsc.store_scatter(idx_v, [e + 4], l + H * W)
                plsc.store_scatter(idx_v, [e + 5], l + (H * W + 1))
                plsc.store_scatter(idx_v, [e + 6], l + (H * W + W))
                plsc.store_scatter(idx_v, [e + 7], l + (H * W + W + 1))
                return carry1

            lax.fori_loop(0, _C // 16, body, 0)

        def p2(t, g_v, w_v):
            base = wbase + t * _C

            def body(g, carry2):
                p = g * 16
                wz = w_v[pl.ds(p, 16)]
                wy = w_v[pl.ds(_C + p, 16)]
                wx = w_v[pl.ds(2 * _C + p, 16)]
                e = (p + lane) * 8
                c000 = plsc.load_gather(g_v, [e])
                c001 = plsc.load_gather(g_v, [e + 1])
                c010 = plsc.load_gather(g_v, [e + 2])
                c011 = plsc.load_gather(g_v, [e + 3])
                c100 = plsc.load_gather(g_v, [e + 4])
                c101 = plsc.load_gather(g_v, [e + 5])
                c110 = plsc.load_gather(g_v, [e + 6])
                c111 = plsc.load_gather(g_v, [e + 7])
                c00 = c000 + wx * (c001 - c000)
                c01 = c010 + wx * (c011 - c010)
                c10 = c100 + wx * (c101 - c100)
                c11 = c110 + wx * (c111 - c110)
                c0 = c00 + wy * (c01 - c00)
                c1 = c10 + wy * (c11 - c10)
                o_v[pl.ds(p, 16)] = c0 + wz * (c1 - c0)
                return carry2

            lax.fori_loop(0, _C // 16, body, 0)
            pltpu.sync_copy(o_v, out_hbm.at[pl.ds(base, _C)])

        bufs = (
            (idx_a, g_a, w_a, sem_a),
            (idx_b, g_b, w_b, sem_b),
        )
        cbufs = ((cv_a, cs_a), (cv_b, cs_b))

        load_coords(0)
        p1(idx_a, w_a)
        pltpu.async_copy(lin_hbm.at[idx_a], g_a, sem_a)

        def outer(t2, carry):
            for par in (0, 1):
                t = t2 * 2 + par
                idx_cur, g_cur, w_cur, sem_cur = bufs[par]
                idx_nxt, g_nxt, w_nxt, sem_nxt = bufs[1 - par]

                @pl.when(t + 1 < T)
                def _():
                    load_coords(t + 1)
                    p1(idx_nxt, w_nxt)
                    pltpu.async_copy(lin_hbm.at[idx_nxt], g_nxt, sem_nxt)

                pltpu.make_async_copy(lin_hbm.at[idx_cur], g_cur, sem_cur).wait()
                p2(t, g_cur, w_cur)
            return carry

        lax.fori_loop(0, T // 2, outer, 0)

    return interp_kernel


def kernel(coords, data):
    n = coords.shape[0]
    flat = data.reshape(-1)
    guard = lax.broadcasted_iota(jnp.int32, flat.shape, 0) >= 0
    lin = jnp.where(guard, flat, jnp.float32(0.0))
    out = _build_interp(n, data.shape)(coords, lin)
    return out.reshape(n, 1)

# --- scband reference (transcript-rebuilt; emitter-appended) ---
"""Pipeline reference for scband-volume-89034672046121 (READ-ONLY COPY).

The authoritative reference and input builder live on the scoring server;
editing this copy changes nothing except your own understanding.
"""

import jax, jax.numpy as jnp
import numpy as np


def setup_inputs(seed: int = 0) -> dict:
    key = jax.random.key(seed)
    k1, k2 = jax.random.split(key)
    coords = jax.random.uniform(k1, (2097152, 3), dtype=jnp.float32)
    data = jax.random.uniform(k2, (512, 512, 512), dtype=jnp.float32)
    return {"coords": coords, "data": data}


def reference(coords, data):
    depth, height, width = data.shape
    scale_tensor = jnp.array([depth - 1, height - 1, width - 1], dtype=jnp.float32)
    scaled_coords = coords * scale_tensor
    indices = scaled_coords.astype(jnp.int32)
    weights = scaled_coords - indices.astype(jnp.float32)
    z0 = jnp.clip(indices[:, 0], 0, depth - 1)
    y0 = jnp.clip(indices[:, 1], 0, height - 1)
    x0 = jnp.clip(indices[:, 2], 0, width - 1)
    z1 = jnp.minimum(z0 + 1, depth - 1)
    y1 = jnp.minimum(y0 + 1, height - 1)
    x1 = jnp.minimum(x0 + 1, width - 1)
    wz = weights[:, 0:1]
    wy = weights[:, 1:2]
    wx = weights[:, 2:3]
    c000 = data[z0, y0, x0][:, None]
    c001 = data[z0, y0, x1][:, None]
    c010 = data[z0, y1, x0][:, None]
    c011 = data[z0, y1, x1][:, None]
    c100 = data[z1, y0, x0][:, None]
    c101 = data[z1, y0, x1][:, None]
    c110 = data[z1, y1, x0][:, None]
    c111 = data[z1, y1, x1][:, None]
    c00 = c000 * (1 - wx) + c001 * wx
    c01 = c010 * (1 - wx) + c011 * wx
    c10 = c100 * (1 - wx) + c101 * wx
    c11 = c110 * (1 - wx) + c111 * wx
    c0 = c00 * (1 - wy) + c01 * wy
    c1 = c10 * (1 - wy) + c11 * wy
    result = c0 * (1 - wz) + c1 * wz
    return result

if __name__ == "__main__":
    import jax
    _d = setup_inputs()
    print(jax.jit(kernel)(*tuple(_d.values())))

</pallas_src>

<mosaic_0001>
#map = affine_map<(d0, d1) -> (0, 0)>
#map1 = affine_map<(d0, d1) -> (0)>
module attributes {stable_mosaic.version = 14 : i64} {
  func.func @interp_kernel(%arg0: i32, %arg1: i32, %arg2: memref<2097152x3xf32, #tpu.memory_space<hbm>>, %arg3: memref<134217728xf32, #tpu.memory_space<hbm>>, %arg4: memref<2097152xf32, #tpu.memory_space<hbm>>, %arg5: memref<128x3xf32, #tpu.memory_space<vmem>>, %arg6: memref<128x3xf32, #tpu.memory_space<vmem>>, %arg7: memref<2048xf32, #tpu.memory_space<vmem>>, %arg8: memref<2048xf32, #tpu.memory_space<vmem>>, %arg9: memref<2048xf32, #tpu.memory_space<vmem>>, %arg10: memref<16384xi32, #tpu.memory_space<vmem>>, %arg11: memref<16384xi32, #tpu.memory_space<vmem>>, %arg12: memref<16384xf32, #tpu.memory_space<vmem>>, %arg13: memref<16384xf32, #tpu.memory_space<vmem>>, %arg14: memref<6144xf32, #tpu.memory_space<vmem>>, %arg15: memref<6144xf32, #tpu.memory_space<vmem>>, %arg16: memref<2048xf32, #tpu.memory_space<vmem>>, %arg17: memref<!tpu.dma_semaphore, #tpu.memory_space<semaphore_mem>>, %arg18: memref<!tpu.dma_semaphore, #tpu.memory_space<semaphore_mem>>, %arg19: memref<!tpu.dma_semaphore, #tpu.memory_space<semaphore_mem>>, %arg20: memref<!tpu.dma_semaphore, #tpu.memory_space<semaphore_mem>>) attributes {dimension_semantics = [#tpu.dimension_semantics<core_parallel>, #tpu.dimension_semantics<subcore_parallel>], iteration_bounds = array<i64: 2, 16>, scalar_prefetch = 0 : i64, scratch_operands = 16 : i64, tpu.core_type = #tpu.core_type<sc_vector_subcore>, window_params = [{transform_indices = #map}, {transform_indices = #map1}, {transform_indices = #map1}]} {
    %mul3A = arith.constant 2 : i32
    %mul3A_0 = arith.muli %arg1, %mul3A : i32
    %add3A = arith.addi %mul3A_0, %arg0 : i32
    %mul3A_1 = arith.constant 65536 : i32
    %mul3A_2 = arith.muli %add3A, %mul3A_1 : i32
    %iota3A = tpu.iota {dimensions = array<i32: 0>} : vector<16xi32>
    %mul3A_3 = arith.constant 0 : i32
    %mul3A_4 = vector.broadcast %mul3A_3 : i32 to vector<16xi32>
    %mul3A_5 = arith.muli %iota3A, %mul3A_4 : vector<16xi32>
    %add3A_6 = arith.constant 0 : i32
    %add3A_7 = arith.addi %mul3A_2, %add3A_6 : i32
    %dma_start3A = arith.constant 0 : i32
    %dma_start3A_8 = tpu.memref_slice %arg2[%add3A_7, %dma_start3A] : memref<2097152x3xf32, #tpu.memory_space<hbm>> -> memref<128x3xf32, #tpu.memory_space<hbm>>
    %dma_start3A_9 = arith.constant 0 : i32
    %dma_start3A_10 = tpu.memref_slice %arg2[%add3A_7, %dma_start3A_9] : memref<2097152x3xf32, #tpu.memory_space<hbm>> -> memref<128x3xf32, #tpu.memory_space<hbm>>
    tpu.enqueue_dma source(%dma_start3A_10 : memref<128x3xf32, #tpu.memory_space<hbm>>) target(%arg5 : memref<128x3xf32, #tpu.memory_space<vmem>>) target_semaphore(%arg19 : memref<!tpu.dma_semaphore, #tpu.memory_space<semaphore_mem>>)
    %scan3A = arith.constant 0 : i32
    %scan3A_11 = arith.constant 0 : i32
    %scan3A_12 = arith.constant 8 : i32
    %scan3A_13 = arith.addi %scan3A_11, %scan3A_12 : i32
    %scan3A_14 = arith.constant 1 : i32
    scf.for %scan3A_30 = %scan3A_11 to %scan3A_13 step %scan3A_14  : i32 {
      %mul3A_31 = arith.constant 2 : i32
      %mul3A_32 = arith.muli %scan3A_30, %mul3A_31 : i32
      %add3A_33 = arith.constant 0 : i32
      %add3A_34 = arith.addi %mul3A_32, %add3A_33 : i32
      %add3A_35 = arith.constant 1 : i32
      %add3A_36 = arith.addi %add3A_34, %add3A_35 : i32
      %lt3A = arith.constant 16 : i32
      %lt3A_37 = arith.cmpi slt, %add3A_36, %lt3A : i32
      %convert_element_type3A = arith.extui %lt3A_37 : i1 to i32
      %cond3A = arith.constant 0 : i32
      %cond3A_38 = arith.cmpi ne, %convert_element_type3A, %cond3A : i32
      scf.if %cond3A_38 {
        %add3A_75 = arith.constant 1 : i32
        %add3A_76 = arith.addi %add3A_34, %add3A_75 : i32
        %mul3A_77 = arith.constant 128 : i32
        %mul3A_78 = arith.muli %add3A_76, %mul3A_77 : i32
        %add3A_79 = arith.addi %add3A_7, %mul3A_78 : i32
        %dma_start3A_80 = arith.constant 0 : i32
        %dma_start3A_81 = tpu.memref_slice %arg2[%add3A_79, %dma_start3A_80] : memref<2097152x3xf32, #tpu.memory_space<hbm>> -> memref<128x3xf32, #tpu.memory_space<hbm>>
        %dma_start3A_82 = arith.constant 0 : i32
        %dma_start3A_83 = tpu.memref_slice %arg2[%add3A_79, %dma_start3A_82] : memref<2097152x3xf32, #tpu.memory_space<hbm>> -> memref<128x3xf32, #tpu.memory_space<hbm>>
        tpu.enqueue_dma source(%dma_start3A_83 : memref<128x3xf32, #tpu.memory_space<hbm>>) target(%arg6 : memref<128x3xf32, #tpu.memory_space<vmem>>) target_semaphore(%arg20 : memref<!tpu.dma_semaphore, #tpu.memory_space<semaphore_mem>>)
      } else {
      }
      %mul3A_39 = arith.constant 128 : i32
      %mul3A_40 = arith.muli %add3A_34, %mul3A_39 : i32
      %add3A_41 = arith.addi %add3A_7, %mul3A_40 : i32
      %dma_wait3A = arith.constant 0 : i32
      %dma_wait3A_42 = tpu.memref_slice %arg2[%add3A_41, %dma_wait3A] : memref<2097152x3xf32, #tpu.memory_space<hbm>> -> memref<128x3xf32, #tpu.memory_space<hbm>>
      %dma_wait3A_43 = arith.constant 0 : i32
      %dma_wait3A_44 = tpu.memref_slice %arg2[%add3A_41, %dma_wait3A_43] : memref<2097152x3xf32, #tpu.memory_space<hbm>> -> memref<128x3xf32, #tpu.memory_space<hbm>>
      tpu.wait_dma2 semaphore(%arg19 : memref<!tpu.dma_semaphore, #tpu.memory_space<semaphore_mem>>) src(%dma_wait3A_44 : memref<128x3xf32, #tpu.memory_space<hbm>>) dst(%arg5 : memref<128x3xf32, #tpu.memory_space<vmem>>)
      %scan3A_45 = arith.constant 0 : i32
      %scan3A_46 = arith.constant 0 : i32
      %scan3A_47 = arith.constant 8 : i32
      %scan3A_48 = arith.addi %scan3A_46, %scan3A_47 : i32
      %scan3A_49 = arith.constant 1 : i32
      scf.for %scan3A_75 = %scan3A_46 to %scan3A_48 step %scan3A_49  : i32 {
        %mul3A_76 = arith.constant 16 : i32
        %mul3A_77 = arith.muli %scan3A_75, %mul3A_76 : i32
        %mul3A_78 = arith.constant 128 : i32
        %mul3A_79 = arith.muli %add3A_34, %mul3A_78 : i32
        %add3A_80 = arith.addi %mul3A_79, %mul3A_77 : i32
        %add3A_81 = vector.broadcast %mul3A_77 : i32 to vector<16xi32>
        %add3A_82 = arith.addi %add3A_81, %iota3A : vector<16xi32>
        %gather3A = tpu.vector_load_idx %arg5[%add3A_82, %mul3A_5] : memref<128x3xf32, #tpu.memory_space<vmem>>[vector<16xi32>, vector<16xi32>], vector<16xf32>,
        %swap3A = arith.index_cast %add3A_80 : i32 to index
        %swap3A_83 = tpu.vector_load %arg7[%swap3A] {strides = array<i32>} : memref<2048xf32, #tpu.memory_space<vmem>>, vector<16xf32>,
        tpu.vector_store %arg7[%swap3A], %gather3A {strides = array<i32>} : memref<2048xf32, #tpu.memory_space<vmem>>, vector<16xf32>,
        %add3A_84 = vector.broadcast %mul3A_77 : i32 to vector<16xi32>
        %add3A_85 = arith.addi %add3A_84, %iota3A : vector<16xi32>
        %add3A_86 = arith.constant 1 : i32
        %add3A_87 = vector.broadcast %add3A_86 : i32 to vector<16xi32>
        %add3A_88 = arith.addi %mul3A_5, %add3A_87 : vector<16xi32>
        %gather3A_89 = tpu.vector_load_idx %arg5[%add3A_85, %add3A_88] : memref<128x3xf32, #tpu.memory_space<vmem>>[vector<16xi32>, vector<16xi32>], vector<16xf32>,
        %swap3A_90 = arith.index_cast %add3A_80 : i32 to index
        %swap3A_91 = tpu.vector_load %arg8[%swap3A_90] {strides = array<i32>} : memref<2048xf32, #tpu.memory_space<vmem>>, vector<16xf32>,
        tpu.vector_store %arg8[%swap3A_90], %gather3A_89 {strides = array<i32>} : memref<2048xf32, #tpu.memory_space<vmem>>, vector<16xf32>,
        %add3A_92 = vector.broadcast %mul3A_77 : i32 to vector<16xi32>
        %add3A_93 = arith.addi %add3A_92, %iota3A : vector<16xi32>
        %add3A_94 = arith.constant 2 : i32
        %add3A_95 = vector.broadcast %add3A_94 : i32 to vector<16xi32>
        %add3A_96 = arith.addi %mul3A_5, %add3A_95 : vector<16xi32>
        %gather3A_97 = tpu.vector_load_idx %arg5[%add3A_93, %add3A_96] : memref<128x3xf32, #tpu.memory_space<vmem>>[vector<16xi32>, vector<16xi32>], vector<16xf32>,
        %swap3A_98 = arith.index_cast %add3A_80 : i32 to index
        %swap3A_99 = tpu.vector_load %arg9[%swap3A_98] {strides = array<i32>} : memref<2048xf32, #tpu.memory_space<vmem>>, vector<16xf32>,
        tpu.vector_store %arg9[%swap3A_98], %gather3A_97 {strides = array<i32>} : memref<2048xf32, #tpu.memory_space<vmem>>, vector<16xf32>,
      }
      %scan3A_50 = arith.constant 8 : i32
      %mul3A_51 = arith.constant 2 : i32
      %mul3A_52 = arith.muli %scan3A_30, %mul3A_51 : i32
      %add3A_53 = arith.constant 1 : i32
      %add3A_54 = arith.addi %mul3A_52, %add3A_53 : i32
      %add3A_55 = arith.constant 1 : i32
      %add3A_56 = arith.addi %add3A_54, %add3A_55 : i32
      %lt3A_57 = arith.constant 16 : i32
      %lt3A_58 = arith.cmpi slt, %add3A_56, %lt3A_57 : i32
      %convert_element_type3A_59 = arith.extui %lt3A_58 : i1 to i32
      %cond3A_60 = arith.constant 0 : i32
      %cond3A_61 = arith.cmpi ne, %convert_element_type3A_59, %cond3A_60 : i32
      scf.if %cond3A_61 {
        %add3A_75 = arith.constant 1 : i32
        %add3A_76 = arith.addi %add3A_54, %add3A_75 : i32
        %mul3A_77 = arith.constant 128 : i32
        %mul3A_78 = arith.muli %add3A_76, %mul3A_77 : i32
        %add3A_79 = arith.addi %add3A_7, %mul3A_78 : i32
        %dma_start3A_80 = arith.constant 0 : i32
        %dma_start3A_81 = tpu.memref_slice %arg2[%add3A_79, %dma_start3A_80] : memref<2097152x3xf32, #tpu.memory_space<hbm>> -> memref<128x3xf32, #tpu.memory_space<hbm>>
        %dma_start3A_82 = arith.constant 0 : i32
        %dma_start3A_83 = tpu.memref_slice %arg2[%add3A_79, %dma_start3A_82] : memref<2097152x3xf32, #tpu.memory_space<hbm>> -> memref<128x3xf32, #tpu.memory_space<hbm>>
        tpu.enqueue_dma source(%dma_start3A_83 : memref<128x3xf32, #tpu.memory_space<hbm>>) target(%arg5 : memref<128x3xf32, #tpu.memory_space<vmem>>) target_semaphore(%arg19 : memref<!tpu.dma_semaphore, #tpu.memory_space<semaphore_mem>>)
      } else {
      }
      %mul3A_62 = arith.constant 128 : i32
      %mul3A_63 = arith.muli %add3A_54, %mul3A_62 : i32
      %add3A_64 = arith.addi %add3A_7, %mul3A_63 : i32
      %dma_wait3A_65 = arith.constant 0 : i32
      %dma_wait3A_66 = tpu.memref_slice %arg2[%add3A_64, %dma_wait3A_65] : memref<2097152x3xf32, #tpu.memory_space<hbm>> -> memref<128x3xf32, #tpu.memory_space<hbm>>
      %dma_wait3A_67 = arith.constant 0 : i32
      %dma_wait3A_68 = tpu.memref_slice %arg2[%add3A_64, %dma_wait3A_67] : memref<2097152x3xf32, #tpu.memory_space<hbm>> -> memref<128x3xf32, #tpu.memory_space<hbm>>
      tpu.wait_dma2 semaphore(%arg20 : memref<!tpu.dma_semaphore, #tpu.memory_space<semaphore_mem>>) src(%dma_wait3A_68 : memref<128x3xf32, #tpu.memory_space<hbm>>) dst(%arg6 : memref<128x3xf32, #tpu.memory_space<vmem>>)
      %scan3A_69 = arith.constant 0 : i32
      %scan3A_70 = arith.constant 0 : i32
      %scan3A_71 = arith.constant 8 : i32
      %scan3A_72 = arith.addi %scan3A_70, %scan3A_71 : i32
      %scan3A_73 = arith.constant 1 : i32
      scf.for %scan3A_75 = %scan3A_70 to %scan3A_72 step %scan3A_73  : i32 {
        %mul3A_76 = arith.constant 16 : i32
        %mul3A_77 = arith.muli %scan3A_75, %mul3A_76 : i32
        %mul3A_78 = arith.constant 128 : i32
        %mul3A_79 = arith.muli %add3A_54, %mul3A_78 : i32
        %add3A_80 = arith.addi %mul3A_79, %mul3A_77 : i32
        %add3A_81 = vector.broadcast %mul3A_77 : i32 to vector<16xi32>
        %add3A_82 = arith.addi %add3A_81, %iota3A : vector<16xi32>
        %gather3A = tpu.vector_load_idx %arg6[%add3A_82, %mul3A_5] : memref<128x3xf32, #tpu.memory_space<vmem>>[vector<16xi32>, vector<16xi32>], vector<16xf32>,
        %swap3A = arith.index_cast %add3A_80 : i32 to index
        %swap3A_83 = tpu.vector_load %arg7[%swap3A] {strides = array<i32>} : memref<2048xf32, #tpu.memory_space<vmem>>, vector<16xf32>,
        tpu.vector_store %arg7[%swap3A], %gather3A {strides = array<i32>} : memref<2048xf32, #tpu.memory_space<vmem>>, vector<16xf32>,
        %add3A_84 = vector.broadcast %mul3A_77 : i32 to vector<16xi32>
        %add3A_85 = arith.addi %add3A_84, %iota3A : vector<16xi32>
        %add3A_86 = arith.constant 1 : i32
        %add3A_87 = vector.broadcast %add3A_86 : i32 to vector<16xi32>
        %add3A_88 = arith.addi %mul3A_5, %add3A_87 : vector<16xi32>
        %gather3A_89 = tpu.vector_load_idx %arg6[%add3A_85, %add3A_88] : memref<128x3xf32, #tpu.memory_space<vmem>>[vector<16xi32>, vector<16xi32>], vector<16xf32>,
        %swap3A_90 = arith.index_cast %add3A_80 : i32 to index
        %swap3A_91 = tpu.vector_load %arg8[%swap3A_90] {strides = array<i32>} : memref<2048xf32, #tpu.memory_space<vmem>>, vector<16xf32>,
        tpu.vector_store %arg8[%swap3A_90], %gather3A_89 {strides = array<i32>} : memref<2048xf32, #tpu.memory_space<vmem>>, vector<16xf32>,
        %add3A_92 = vector.broadcast %mul3A_77 : i32 to vector<16xi32>
        %add3A_93 = arith.addi %add3A_92, %iota3A : vector<16xi32>
        %add3A_94 = arith.constant 2 : i32
        %add3A_95 = vector.broadcast %add3A_94 : i32 to vector<16xi32>
        %add3A_96 = arith.addi %mul3A_5, %add3A_95 : vector<16xi32>
        %gather3A_97 = tpu.vector_load_idx %arg6[%add3A_93, %add3A_96] : memref<128x3xf32, #tpu.memory_space<vmem>>[vector<16xi32>, vector<16xi32>], vector<16xf32>,
        %swap3A_98 = arith.index_cast %add3A_80 : i32 to index
        %swap3A_99 = tpu.vector_load %arg9[%swap3A_98] {strides = array<i32>} : memref<2048xf32, #tpu.memory_space<vmem>>, vector<16xf32>,
        tpu.vector_store %arg9[%swap3A_98], %gather3A_97 {strides = array<i32>} : memref<2048xf32, #tpu.memory_space<vmem>>, vector<16xf32>,
      }
      %scan3A_74 = arith.constant 8 : i32
    }
    %scan3A_15 = arith.constant 8 : i32
    %scan3A_16 = arith.constant 0 : i32
    %scan3A_17 = arith.constant 0 : i32
    %scan3A_18 = arith.constant 128 : i32
    %scan3A_19 = arith.addi %scan3A_17, %scan3A_18 : i32
    %scan3A_20 = arith.constant 1 : i32
    scf.for %scan3A_30 = %scan3A_17 to %scan3A_19 step %scan3A_20  : i32 {
      %mul3A_31 = arith.constant 16 : i32
      %mul3A_32 = arith.muli %scan3A_30, %mul3A_31 : i32
      %get3A = arith.index_cast %mul3A_32 : i32 to index
      %get3A_33 = tpu.vector_load %arg7[%get3A] {strides = array<i32>} : memref<2048xf32, #tpu.memory_space<vmem>>, vector<16xf32>,
      %mul3A_34 = arith.constant 5.110000e+02 : f32
      %mul3A_35 = vector.broadcast %mul3A_34 : f32 to vector<16xf32>
      %mul3A_36 = arith.mulf %get3A_33, %mul3A_35 : vector<16xf32>
      %get3A_37 = arith.index_cast %mul3A_32 : i32 to index
      %get3A_38 = tpu.vector_load %arg8[%get3A_37] {strides = array<i32>} : memref<2048xf32, #tpu.memory_space<vmem>>, vector<16xf32>,
      %mul3A_39 = arith.constant 5.110000e+02 : f32
      %mul3A_40 = vector.broadcast %mul3A_39 : f32 to vector<16xf32>
      %mul3A_41 = arith.mulf %get3A_38, %mul3A_40 : vector<16xf32>
      %get3A_42 = arith.index_cast %mul3A_32 : i32 to index
      %get3A_43 = tpu.vector_load %arg9[%get3A_42] {strides = array<i32>} : memref<2048xf32, #tpu.memory_space<vmem>>, vector<16xf32>,
      %mul3A_44 = arith.constant 5.110000e+02 : f32
      %mul3A_45 = vector.broadcast %mul3A_44 : f32 to vector<16xf32>
      %mul3A_46 = arith.mulf %get3A_43, %mul3A_45 : vector<16xf32>
      %convert_element_type3A = arith.fptosi %mul3A_36 : vector<16xf32> to vector<16xi32>
      %min3A = arith.constant 510 : i32
      %min3A_47 = vector.broadcast %min3A : i32 to vector<16xi32>
      %min3A_48 = arith.minsi %convert_element_type3A, %min3A_47 : vector<16xi32>
      %convert_element_type3A_49 = arith.fptosi %mul3A_41 : vector<16xf32> to vector<16xi32>
      %min3A_50 = arith.constant 510 : i32
      %min3A_51 = vector.broadcast %min3A_50 : i32 to vector<16xi32>
      %min3A_52 = arith.minsi %convert_element_type3A_49, %min3A_51 : vector<16xi32>
      %convert_element_type3A_53 = arith.fptosi %mul3A_46 : vector<16xf32> to vector<16xi32>
      %min3A_54 = arith.constant 510 : i32
      %min3A_55 = vector.broadcast %min3A_54 : i32 to vector<16xi32>
      %min3A_56 = arith.minsi %convert_element_type3A_53, %min3A_55 : vector<16xi32>
      %convert_element_type3A_57 = arith.sitofp %min3A_48 : vector<16xi32> to vector<16xf32>
      %sub3A = arith.subf %mul3A_36, %convert_element_type3A_57 : vector<16xf32>
      %swap3A = arith.index_cast %mul3A_32 : i32 to index
      %swap3A_58 = tpu.vector_load %arg14[%swap3A] {strides = array<i32>} : memref<6144xf32, #tpu.memory_space<vmem>>, vector<16xf32>,
      tpu.vector_store %arg14[%swap3A], %sub3A {strides = array<i32>} : memref<6144xf32, #tpu.memory_space<vmem>>, vector<16xf32>,
      %convert_element_type3A_59 = arith.sitofp %min3A_52 : vector<16xi32> to vector<16xf32>
      %sub3A_60 = arith.subf %mul3A_41, %convert_element_type3A_59 : vector<16xf32>
      %add3A_61 = arith.constant 2048 : i32
      %add3A_62 = arith.addi %add3A_61, %mul3A_32 : i32
      %swap3A_63 = arith.index_cast %add3A_62 : i32 to index
      %swap3A_64 = tpu.vector_load %arg14[%swap3A_63] {strides = array<i32>} : memref<6144xf32, #tpu.memory_space<vmem>>, vector<16xf32>,
      tpu.vector_store %arg14[%swap3A_63], %sub3A_60 {strides = array<i32>} : memref<6144xf32, #tpu.memory_space<vmem>>, vector<16xf32>,
      %convert_element_type3A_65 = arith.sitofp %min3A_56 : vector<16xi32> to vector<16xf32>
      %sub3A_66 = arith.subf %mul3A_46, %convert_element_type3A_65 : vector<16xf32>
      %add3A_67 = arith.constant 4096 : i32
      %add3A_68 = arith.addi %add3A_67, %mul3A_32 : i32
      %swap3A_69 = arith.index_cast %add3A_68 : i32 to index
      %swap3A_70 = tpu.vector_load %arg14[%swap3A_69] {strides = array<i32>} : memref<6144xf32, #tpu.memory_space<vmem>>, vector<16xf32>,
      tpu.vector_store %arg14[%swap3A_69], %sub3A_66 {strides = array<i32>} : memref<6144xf32, #tpu.memory_space<vmem>>, vector<16xf32>,
      %mul3A_71 = arith.constant 512 : i32
      %mul3A_72 = vector.broadcast %mul3A_71 : i32 to vector<16xi32>
      %mul3A_73 = arith.muli %min3A_48, %mul3A_72 : vector<16xi32>
      %add3A_74 = arith.addi %mul3A_73, %min3A_52 : vector<16xi32>
      %mul3A_75 = arith.constant 512 : i32
      %mul3A_76 = vector.broadcast %mul3A_75 : i32 to vector<16xi32>
      %mul3A_77 = arith.muli %add3A_74, %mul3A_76 : vector<16xi32>
      %add3A_78 = arith.addi %mul3A_77, %min3A_56 : vector<16xi32>
      %add3A_79 = vector.broadcast %mul3A_32 : i32 to vector<16xi32>
      %add3A_80 = arith.addi %add3A_79, %iota3A : vector<16xi32>
      %mul3A_81 = arith.constant 8 : i32
      %mul3A_82 = vector.broadcast %mul3A_81 : i32 to vector<16xi32>
      %mul3A_83 = arith.muli %add3A_80, %mul3A_82 : vector<16xi32>
      tpu.vector_store_idx %arg10[%mul3A_83], %add3A_78 : memref<16384xi32, #tpu.memory_space<vmem>>[vector<16xi32>], vector<16xi32>,
      %add3A_84 = arith.constant 1 : i32
      %add3A_85 = vector.broadcast %add3A_84 : i32 to vector<16xi32>
      %add3A_86 = arith.addi %mul3A_83, %add3A_85 : vector<16xi32>
      %add3A_87 = arith.constant 1 : i32
      %add3A_88 = vector.broadcast %add3A_87 : i32 to vector<16xi32>
      %add3A_89 = arith.addi %add3A_78, %add3A_88 : vector<16xi32>
      tpu.vector_store_idx %arg10[%add3A_86], %add3A_89 : memref<16384xi32, #tpu.memory_space<vmem>>[vector<16xi32>], vector<16xi32>,
      %add3A_90 = arith.constant 2 : i32
      %add3A_91 = vector.broadcast %add3A_90 : i32 to vector<16xi32>
      %add3A_92 = arith.addi %mul3A_83, %add3A_91 : vector<16xi32>
      %add3A_93 = arith.constant 512 : i32
      %add3A_94 = vector.broadcast %add3A_93 : i32 to vector<16xi32>
      %add3A_95 = arith.addi %add3A_78, %add3A_94 : vector<16xi32>
      tpu.vector_store_idx %arg10[%add3A_92], %add3A_95 : memref<16384xi32, #tpu.memory_space<vmem>>[vector<16xi32>], vector<16xi32>,
      %add3A_96 = arith.constant 3 : i32
      %add3A_97 = vector.broadcast %add3A_96 : i32 to vector<16xi32>
      %add3A_98 = arith.addi %mul3A_83, %add3A_97 : vector<16xi32>
      %add3A_99 = arith.constant 513 : i32
      %add3A_100 = vector.broadcast %add3A_99 : i32 to vector<16xi32>
      %add3A_101 = arith.addi %add3A_78, %add3A_100 : vector<16xi32>
      tpu.vector_store_idx %arg10[%add3A_98], %add3A_101 : memref<16384xi32, #tpu.memory_space<vmem>>[vector<16xi32>], vector<16xi32>,
      %add3A_102 = arith.constant 4 : i32
      %add3A_103 = vector.broadcast %add3A_102 : i32 to vector<16xi32>
      %add3A_104 = arith.addi %mul3A_83, %add3A_103 : vector<16xi32>
      %add3A_105 = arith.constant 262144 : i32
      %add3A_106 = vector.broadcast %add3A_105 : i32 to vector<16xi32>
      %add3A_107 = arith.addi %add3A_78, %add3A_106 : vector<16xi32>
      tpu.vector_store_idx %arg10[%add3A_104], %add3A_107 : memref<16384xi32, #tpu.memory_space<vmem>>[vector<16xi32>], vector<16xi32>,
      %add3A_108 = arith.constant 5 : i32
      %add3A_109 = vector.broadcast %add3A_108 : i32 to vector<16xi32>
      %add3A_110 = arith.addi %mul3A_83, %add3A_109 : vector<16xi32>
      %add3A_111 = arith.constant 262145 : i32
      %add3A_112 = vector.broadcast %add3A_111 : i32 to vector<16xi32>
      %add3A_113 = arith.addi %add3A_78, %add3A_112 : vector<16xi32>
      tpu.vector_store_idx %arg10[%add3A_110], %add3A_113 : memref<16384xi32, #tpu.memory_space<vmem>>[vector<16xi32>], vector<16xi32>,
      %add3A_114 = arith.constant 6 : i32
      %add3A_115 = vector.broadcast %add3A_114 : i32 to vector<16xi32>
      %add3A_116 = arith.addi %mul3A_83, %add3A_115 : vector<16xi32>
      %add3A_117 = arith.constant 262656 : i32
      %add3A_118 = vector.broadcast %add3A_117 : i32 to vector<16xi32>
      %add3A_119 = arith.addi %add3A_78, %add3A_118 : vector<16xi32>
      tpu.vector_store_idx %arg10[%add3A_116], %add3A_119 : memref<16384xi32, #tpu.memory_space<vmem>>[vector<16xi32>], vector<16xi32>,
      %add3A_120 = arith.constant 7 : i32
      %add3A_121 = vector.broadcast %add3A_120 : i32 to vector<16xi32>
      %add3A_122 = arith.addi %mul3A_83, %add3A_121 : vector<16xi32>
      %add3A_123 = arith.constant 262657 : i32
      %add3A_124 = vector.broadcast %add3A_123 : i32 to vector<16xi32>
      %add3A_125 = arith.addi %add3A_78, %add3A_124 : vector<16xi32>
      tpu.vector_store_idx %arg10[%add3A_122], %add3A_125 : memref<16384xi32, #tpu.memory_space<vmem>>[vector<16xi32>], vector<16xi32>,
    }
    %scan3A_21 = arith.constant 128 : i32
    %dma_start3A_22 = arith.constant 0 : i32
    %dma_start3A_23 = tpu.memref_slice %arg3[%dma_start3A_22] : memref<134217728xf32, #tpu.memory_space<hbm>> -> memref<134217728xf32, #tpu.memory_space<hbm>>
    tpu.enqueue_indirect_dma source(%dma_start3A_23 : memref<134217728xf32, #tpu.memory_space<hbm>>) target(%arg12 : memref<16384xf32, #tpu.memory_space<vmem>>) offsets(%arg10 : memref<16384xi32, #tpu.memory_space<vmem>>) semaphore(%arg17 : memref<!tpu.dma_semaphore, #tpu.memory_space<semaphore_mem>>)
    %scan3A_24 = arith.constant 0 : i32
    %scan3A_25 = arith.constant 0 : i32
    %scan3A_26 = arith.constant 16 : i32
    %scan3A_27 = arith.addi %scan3A_25, %scan3A_26 : i32
    %scan3A_28 = arith.constant 1 : i32
    scf.for %scan3A_30 = %scan3A_25 to %scan3A_27 step %scan3A_28  : i32 {
      %mul3A_31 = arith.constant 2 : i32
      %mul3A_32 = arith.muli %scan3A_30, %mul3A_31 : i32
      %add3A_33 = arith.constant 0 : i32
      %add3A_34 = arith.addi %mul3A_32, %add3A_33 : i32
      %add3A_35 = arith.constant 1 : i32
      %add3A_36 = arith.addi %add3A_34, %add3A_35 : i32
      %lt3A = arith.constant 32 : i32
      %lt3A_37 = arith.cmpi slt, %add3A_36, %lt3A : i32
      %convert_element_type3A = arith.extui %lt3A_37 : i1 to i32
      %cond3A = arith.constant 0 : i32
      %cond3A_38 = arith.cmpi ne, %convert_element_type3A, %cond3A : i32
      scf.if %cond3A_38 {
        %add3A_71 = arith.constant 1 : i32
        %add3A_72 = arith.addi %add3A_34, %add3A_71 : i32
        %mul3A_73 = arith.constant 2048 : i32
        %mul3A_74 = arith.muli %add3A_72, %mul3A_73 : i32
        %add3A_75 = arith.addi %mul3A_2, %mul3A_74 : i32
        %dma_start3A_76 = arith.constant 0 : i32
        %dma_start3A_77 = tpu.memref_slice %arg2[%add3A_75, %dma_start3A_76] : memref<2097152x3xf32, #tpu.memory_space<hbm>> -> memref<128x3xf32, #tpu.memory_space<hbm>>
        %dma_start3A_78 = arith.constant 0 : i32
        %dma_start3A_79 = tpu.memref_slice %arg2[%add3A_75, %dma_start3A_78] : memref<2097152x3xf32, #tpu.memory_space<hbm>> -> memref<128x3xf32, #tpu.memory_space<hbm>>
        tpu.enqueue_dma source(%dma_start3A_79 : memref<128x3xf32, #tpu.memory_space<hbm>>) target(%arg5 : memref<128x3xf32, #tpu.memory_space<vmem>>) target_semaphore(%arg19 : memref<!tpu.dma_semaphore, #tpu.memory_space<semaphore_mem>>)
        %scan3A_80 = arith.constant 0 : i32
        %scan3A_81 = arith.constant 0 : i32
        %scan3A_82 = arith.constant 8 : i32
        %scan3A_83 = arith.addi %scan3A_81, %scan3A_82 : i32
        %scan3A_84 = arith.constant 1 : i32
        scf.for %scan3A_94 = %scan3A_81 to %scan3A_83 step %scan3A_84  : i32 {
          %mul3A_95 = arith.constant 2 : i32
          %mul3A_96 = arith.muli %scan3A_94, %mul3A_95 : i32
          %add3A_97 = arith.constant 0 : i32
          %add3A_98 = arith.addi %mul3A_96, %add3A_97 : i32
          %add3A_99 = arith.constant 1 : i32
          %add3A_100 = arith.addi %add3A_98, %add3A_99 : i32
          %lt3A_101 = arith.constant 16 : i32
          %lt3A_102 = arith.cmpi slt, %add3A_100, %lt3A_101 : i32
          %convert_element_type3A_103 = arith.extui %lt3A_102 : i1 to i32
          %cond3A_104 = arith.constant 0 : i32
          %cond3A_105 = arith.cmpi ne, %convert_element_type3A_103, %cond3A_104 : i32
          scf.if %cond3A_105 {
            %add3A_143 = arith.constant 1 : i32
            %add3A_144 = arith.addi %add3A_98, %add3A_143 : i32
            %mul3A_145 = arith.constant 128 : i32
            %mul3A_146 = arith.muli %add3A_144, %mul3A_145 : i32
            %add3A_147 = arith.addi %add3A_75, %mul3A_146 : i32
            %dma_start3A_148 = arith.constant 0 : i32
            %dma_start3A_149 = tpu.memref_slice %arg2[%add3A_147, %dma_start3A_148] : memref<2097152x3xf32, #tpu.memory_space<hbm>> -> memref<128x3xf32, #tpu.memory_space<hbm>>
            %dma_start3A_150 = arith.constant 0 : i32
            %dma_start3A_151 = tpu.memref_slice %arg2[%add3A_147, %dma_start3A_150] : memref<2097152x3xf32, #tpu.memory_space<hbm>> -> memref<128x3xf32, #tpu.memory_space<hbm>>
            tpu.enqueue_dma source(%dma_start3A_151 : memref<128x3xf32, #tpu.memory_space<hbm>>) target(%arg6 : memref<128x3xf32, #tpu.memory_space<vmem>>) target_semaphore(%arg20 : memref<!tpu.dma_semaphore, #tpu.memory_space<semaphore_mem>>)
          } else {
          }
          %mul3A_106 = arith.constant 128 : i32
          %mul3A_107 = arith.muli %add3A_98, %mul3A_106 : i32
          %add3A_108 = arith.addi %add3A_75, %mul3A_107 : i32
          %dma_wait3A_109 = arith.constant 0 : i32
          %dma_wait3A_110 = tpu.memref_slice %arg2[%add3A_108, %dma_wait3A_109] : memref<2097152x3xf32, #tpu.memory_space<hbm>> -> memref<128x3xf32, #tpu.memory_space<hbm>>
          %dma_wait3A_111 = arith.constant 0 : i32
          %dma_wait3A_112 = tpu.memref_slice %arg2[%add3A_108, %dma_wait3A_111] : memref<2097152x3xf32, #tpu.memory_space<hbm>> -> memref<128x3xf32, #tpu.memory_space<hbm>>
          tpu.wait_dma2 semaphore(%arg19 : memref<!tpu.dma_semaphore, #tpu.memory_space<semaphore_mem>>) src(%dma_wait3A_112 : memref<128x3xf32, #tpu.memory_space<hbm>>) dst(%arg5 : memref<128x3xf32, #tpu.memory_space<vmem>>)
          %scan3A_113 = arith.constant 0 : i32
          %scan3A_114 = arith.constant 0 : i32
          %scan3A_115 = arith.constant 8 : i32
          %scan3A_116 = arith.addi %scan3A_114, %scan3A_115 : i32
          %scan3A_117 = arith.constant 1 : i32
          scf.for %scan3A_143 = %scan3A_114 to %scan3A_116 step %scan3A_117  : i32 {
            %mul3A_144 = arith.constant 16 : i32
            %mul3A_145 = arith.muli %scan3A_143, %mul3A_144 : i32
            %mul3A_146 = arith.constant 128 : i32
            %mul3A_147 = arith.muli %add3A_98, %mul3A_146 : i32
            %add3A_148 = arith.addi %mul3A_147, %mul3A_145 : i32
            %add3A_149 = vector.broadcast %mul3A_145 : i32 to vector<16xi32>
            %add3A_150 = arith.addi %add3A_149, %iota3A : vector<16xi32>
            %gather3A = tpu.vector_load_idx %arg5[%add3A_150, %mul3A_5] : memref<128x3xf32, #tpu.memory_space<vmem>>[vector<16xi32>, vector<16xi32>], vector<16xf32>,
            %swap3A = arith.index_cast %add3A_148 : i32 to index
            %swap3A_151 = tpu.vector_load %arg7[%swap3A] {strides = array<i32>} : memref<2048xf32, #tpu.memory_space<vmem>>, vector<16xf32>,
            tpu.vector_store %arg7[%swap3A], %gather3A {strides = array<i32>} : memref<2048xf32, #tpu.memory_space<vmem>>, vector<16xf32>,
            %add3A_152 = vector.broadcast %mul3A_145 : i32 to vector<16xi32>
            %add3A_153 = arith.addi %add3A_152, %iota3A : vector<16xi32>
            %add3A_154 = arith.constant 1 : i32
            %add3A_155 = vector.broadcast %add3A_154 : i32 to vector<16xi32>
            %add3A_156 = arith.addi %mul3A_5, %add3A_155 : vector<16xi32>
            %gather3A_157 = tpu.vector_load_idx %arg5[%add3A_153, %add3A_156] : memref<128x3xf32, #tpu.memory_space<vmem>>[vector<16xi32>, vector<16xi32>], vector<16xf32>,
            %swap3A_158 = arith.index_cast %add3A_148 : i32 to index
            %swap3A_159 = tpu.vector_load %arg8[%swap3A_158] {strides = array<i32>} : memref<2048xf32, #tpu.memory_space<vmem>>, vector<16xf32>,
            tpu.vector_store %arg8[%swap3A_158], %gather3A_157 {strides = array<i32>} : memref<2048xf32, #tpu.memory_space<vmem>>, vector<16xf32>,
            %add3A_160 = vector.broadcast %mul3A_145 : i32 to vector<16xi32>
            %add3A_161 = arith.addi %add3A_160, %iota3A : vector<16xi32>
            %add3A_162 = arith.constant 2 : i32
            %add3A_163 = vector.broadcast %add3A_162 : i32 to vector<16xi32>
            %add3A_164 = arith.addi %mul3A_5, %add3A_163 : vector<16xi32>
            %gather3A_165 = tpu.vector_load_idx %arg5[%add3A_161, %add3A_164] : memref<128x3xf32, #tpu.memory_space<vmem>>[vector<16xi32>, vector<16xi32>], vector<16xf32>,
            %swap3A_166 = arith.index_cast %add3A_148 : i32 to index
            %swap3A_167 = tpu.vector_load %arg9[%swap3A_166] {strides = array<i32>} : memref<2048xf32, #tpu.memory_space<vmem>>, vector<16xf32>,
            tpu.vector_store %arg9[%swap3A_166], %gather3A_165 {strides = array<i32>} : memref<2048xf32, #tpu.memory_space<vmem>>, vector<16xf32>,
          }
          %scan3A_118 = arith.constant 8 : i32
          %mul3A_119 = arith.constant 2 : i32
          %mul3A_120 = arith.muli %scan3A_94, %mul3A_119 : i32
          %add3A_121 = arith.constant 1 : i32
          %add3A_122 = arith.addi %mul3A_120, %add3A_121 : i32
          %add3A_123 = arith.constant 1 : i32
          %add3A_124 = arith.addi %add3A_122, %add3A_123 : i32
          %lt3A_125 = arith.constant 16 : i32
          %lt3A_126 = arith.cmpi slt, %add3A_124, %lt3A_125 : i32
          %convert_element_type3A_127 = arith.extui %lt3A_126 : i1 to i32
          %cond3A_128 = arith.constant 0 : i32
          %cond3A_129 = arith.cmpi ne, %convert_element_type3A_127, %cond3A_128 : i32
          scf.if %cond3A_129 {
            %add3A_143 = arith.constant 1 : i32
            %add3A_144 = arith.addi %add3A_122, %add3A_143 : i32
            %mul3A_145 = arith.constant 128 : i32
            %mul3A_146 = arith.muli %add3A_144, %mul3A_145 : i32
            %add3A_147 = arith.addi %add3A_75, %mul3A_146 : i32
            %dma_start3A_148 = arith.constant 0 : i32
            %dma_start3A_149 = tpu.memref_slice %arg2[%add3A_147, %dma_start3A_148] : memref<2097152x3xf32, #tpu.memory_space<hbm>> -> memref<128x3xf32, #tpu.memory_space<hbm>>
            %dma_start3A_150 = arith.constant 0 : i32
            %dma_start3A_151 = tpu.memref_slice %arg2[%add3A_147, %dma_start3A_150] : memref<2097152x3xf32, #tpu.memory_space<hbm>> -> memref<128x3xf32, #tpu.memory_space<hbm>>
            tpu.enqueue_dma source(%dma_start3A_151 : memref<128x3xf32, #tpu.memory_space<hbm>>) target(%arg5 : memref<128x3xf32, #tpu.memory_space<vmem>>) target_semaphore(%arg19 : memref<!tpu.dma_semaphore, #tpu.memory_space<semaphore_mem>>)
          } else {
          }
          %mul3A_130 = arith.constant 128 : i32
          %mul3A_131 = arith.muli %add3A_122, %mul3A_130 : i32
          %add3A_132 = arith.addi %add3A_75, %mul3A_131 : i32
          %dma_wait3A_133 = arith.constant 0 : i32
          %dma_wait3A_134 = tpu.memref_slice %arg2[%add3A_132, %dma_wait3A_133] : memref<2097152x3xf32, #tpu.memory_space<hbm>> -> memref<128x3xf32, #tpu.memory_space<hbm>>
          %dma_wait3A_135 = arith.constant 0 : i32
          %dma_wait3A_136 = tpu.memref_slice %arg2[%add3A_132, %dma_wait3A_135] : memref<2097152x3xf32, #tpu.memory_space<hbm>> -> memref<128x3xf32, #tpu.memory_space<hbm>>
          tpu.wait_dma2 semaphore(%arg20 : memref<!tpu.dma_semaphore, #tpu.memory_space<semaphore_mem>>) src(%dma_wait3A_136 : memref<128x3xf32, #tpu.memory_space<hbm>>) dst(%arg6 : memref<128x3xf32, #tpu.memory_space<vmem>>)
          %scan3A_137 = arith.constant 0 : i32
          %scan3A_138 = arith.constant 0 : i32
          %scan3A_139 = arith.constant 8 : i32
          %scan3A_140 = arith.addi %scan3A_138, %scan3A_139 : i32
          %scan3A_141 = arith.constant 1 : i32
          scf.for %scan3A_143 = %scan3A_138 to %scan3A_140 step %scan3A_141  : i32 {
            %mul3A_144 = arith.constant 16 : i32
            %mul3A_145 = arith.muli %scan3A_143, %mul3A_144 : i32
            %mul3A_146 = arith.constant 128 : i32
            %mul3A_147 = arith.muli %add3A_122, %mul3A_146 : i32
            %add3A_148 = arith.addi %mul3A_147, %mul3A_145 : i32
            %add3A_149 = vector.broadcast %mul3A_145 : i32 to vector<16xi32>
            %add3A_150 = arith.addi %add3A_149, %iota3A : vector<16xi32>
            %gather3A = tpu.vector_load_idx %arg6[%add3A_150, %mul3A_5] : memref<128x3xf32, #tpu.memory_space<vmem>>[vector<16xi32>, vector<16xi32>], vector<16xf32>,
            %swap3A = arith.index_cast %add3A_148 : i32 to index
            %swap3A_151 = tpu.vector_load %arg7[%swap3A] {strides = array<i32>} : memref<2048xf32, #tpu.memory_space<vmem>>, vector<16xf32>,
            tpu.vector_store %arg7[%swap3A], %gather3A {strides = array<i32>} : memref<2048xf32, #tpu.memory_space<vmem>>, vector<16xf32>,
            %add3A_152 = vector.broadcast %mul3A_145 : i32 to vector<16xi32>
            %add3A_153 = arith.addi %add3A_152, %iota3A : vector<16xi32>
            %add3A_154 = arith.constant 1 : i32
            %add3A_155 = vector.broadcast %add3A_154 : i32 to vector<16xi32>
            %add3A_156 = arith.addi %mul3A_5, %add3A_155 : vector<16xi32>
            %gather3A_157 = tpu.vector_load_idx %arg6[%add3A_153, %add3A_156] : memref<128x3xf32, #tpu.memory_space<vmem>>[vector<16xi32>, vector<16xi32>], vector<16xf32>,
            %swap3A_158 = arith.index_cast %add3A_148 : i32 to index
            %swap3A_159 = tpu.vector_load %arg8[%swap3A_158] {strides = array<i32>} : memref<2048xf32, #tpu.memory_space<vmem>>, vector<16xf32>,
            tpu.vector_store %arg8[%swap3A_158], %gather3A_157 {strides = array<i32>} : memref<2048xf32, #tpu.memory_space<vmem>>, vector<16xf32>,
            %add3A_160 = vector.broadcast %mul3A_145 : i32 to vector<16xi32>
            %add3A_161 = arith.addi %add3A_160, %iota3A : vector<16xi32>
            %add3A_162 = arith.constant 2 : i32
            %add3A_163 = vector.broadcast %add3A_162 : i32 to vector<16xi32>
            %add3A_164 = arith.addi %mul3A_5, %add3A_163 : vector<16xi32>
            %gather3A_165 = tpu.vector_load_idx %arg6[%add3A_161, %add3A_164] : memref<128x3xf32, #tpu.memory_space<vmem>>[vector<16xi32>, vector<16xi32>], vector<16xf32>,
            %swap3A_166 = arith.index_cast %add3A_148 : i32 to index
            %swap3A_167 = tpu.vector_load %arg9[%swap3A_166] {strides = array<i32>} : memref<2048xf32, #tpu.memory_space<vmem>>, vector<16xf32>,
            tpu.vector_store %arg9[%swap3A_166], %gather3A_165 {strides = array<i32>} : memref<2048xf32, #tpu.memory_space<vmem>>, vector<16xf32>,
          }
          %scan3A_142 = arith.constant 8 : i32
        }
        %scan3A_85 = arith.constant 8 : i32
        %scan3A_86 = arith.constant 0 : i32
        %scan3A_87 = arith.constant 0 : i32
        %scan3A_88 = arith.constant 128 : i32
        %scan3A_89 = arith.addi %scan3A_87, %scan3A_88 : i32
        %scan3A_90 = arith.constant 1 : i32
        scf.for %scan3A_94 = %scan3A_87 to %scan3A_89 step %scan3A_90  : i32 {
          %mul3A_95 = arith.constant 16 : i32
          %mul3A_96 = arith.muli %scan3A_94, %mul3A_95 : i32
          %get3A = arith.index_cast %mul3A_96 : i32 to index
          %get3A_97 = tpu.vector_load %arg7[%get3A] {strides = array<i32>} : memref<2048xf32, #tpu.memory_space<vmem>>, vector<16xf32>,
          %mul3A_98 = arith.constant 5.110000e+02 : f32
          %mul3A_99 = vector.broadcast %mul3A_98 : f32 to vector<16xf32>
          %mul3A_100 = arith.mulf %get3A_97, %mul3A_99 : vector<16xf32>
          %get3A_101 = arith.index_cast %mul3A_96 : i32 to index
          %get3A_102 = tpu.vector_load %arg8[%get3A_101] {strides = array<i32>} : memref<2048xf32, #tpu.memory_space<vmem>>, vector<16xf32>,
          %mul3A_103 = arith.constant 5.110000e+02 : f32
          %mul3A_104 = vector.broadcast %mul3A_103 : f32 to vector<16xf32>
          %mul3A_105 = arith.mulf %get3A_102, %mul3A_104 : vector<16xf32>
          %get3A_106 = arith.index_cast %mul3A_96 : i32 to index
          %get3A_107 = tpu.vector_load %arg9[%get3A_106] {strides = array<i32>} : memref<2048xf32, #tpu.memory_space<vmem>>, vector<16xf32>,
          %mul3A_108 = arith.constant 5.110000e+02 : f32
          %mul3A_109 = vector.broadcast %mul3A_108 : f32 to vector<16xf32>
          %mul3A_110 = arith.mulf %get3A_107, %mul3A_109 : vector<16xf32>
          %convert_element_type3A_111 = arith.fptosi %mul3A_100 : vector<16xf32> to vector<16xi32>
          %min3A = arith.constant 510 : i32
          %min3A_112 = vector.broadcast %min3A : i32 to vector<16xi32>
          %min3A_113 = arith.minsi %convert_element_type3A_111, %min3A_112 : vector<16xi32>
          %convert_element_type3A_114 = arith.fptosi %mul3A_105 : vector<16xf32> to vector<16xi32>
          %min3A_115 = arith.constant 510 : i32
          %min3A_116 = vector.broadcast %min3A_115 : i32 to vector<16xi32>
          %min3A_117 = arith.minsi %convert_element_type3A_114, %min3A_116 : vector<16xi32>
          %convert_element_type3A_118 = arith.fptosi %mul3A_110 : vector<16xf32> to vector<16xi32>
          %min3A_119 = arith.constant 510 : i32
          %min3A_120 = vector.broadcast %min3A_119 : i32 to vector<16xi32>
          %min3A_121 = arith.minsi %convert_element_type3A_118, %min3A_120 : vector<16xi32>
          %convert_element_type3A_122 = arith.sitofp %min3A_113 : vector<16xi32> to vector<16xf32>
          %sub3A = arith.subf %mul3A_100, %convert_element_type3A_122 : vector<16xf32>
          %swap3A = arith.index_cast %mul3A_96 : i32 to index
          %swap3A_123 = tpu.vector_load %arg15[%swap3A] {strides = array<i32>} : memref<6144xf32, #tpu.memory_space<vmem>>, vector<16xf32>,
          tpu.vector_store %arg15[%swap3A], %sub3A {strides = array<i32>} : memref<6144xf32, #tpu.memory_space<vmem>>, vector<16xf32>,
          %convert_element_type3A_124 = arith.sitofp %min3A_117 : vector<16xi32> to vector<16xf32>
          %sub3A_125 = arith.subf %mul3A_105, %convert_element_type3A_124 : vector<16xf32>
          %add3A_126 = arith.constant 2048 : i32
          %add3A_127 = arith.addi %add3A_126, %mul3A_96 : i32
          %swap3A_128 = arith.index_cast %add3A_127 : i32 to index
          %swap3A_129 = tpu.vector_load %arg15[%swap3A_128] {strides = array<i32>} : memref<6144xf32, #tpu.memory_space<vmem>>, vector<16xf32>,
          tpu.vector_store %arg15[%swap3A_128], %sub3A_125 {strides = array<i32>} : memref<6144xf32, #tpu.memory_space<vmem>>, vector<16xf32>,
          %convert_element_type3A_130 = arith.sitofp %min3A_121 : vector<16xi32> to vector<16xf32>
          %sub3A_131 = arith.subf %mul3A_110, %convert_element_type3A_130 : vector<16xf32>
          %add3A_132 = arith.constant 4096 : i32
          %add3A_133 = arith.addi %add3A_132, %mul3A_96 : i32
          %swap3A_134 = arith.index_cast %add3A_133 : i32 to index
          %swap3A_135 = tpu.vector_load %arg15[%swap3A_134] {strides = array<i32>} : memref<6144xf32, #tpu.memory_space<vmem>>, vector<16xf32>,
          tpu.vector_store %arg15[%swap3A_134], %sub3A_131 {strides = array<i32>} : memref<6144xf32, #tpu.memory_space<vmem>>, vector<16xf32>,
          %mul3A_136 = arith.constant 512 : i32
          %mul3A_137 = vector.broadcast %mul3A_136 : i32 to vector<16xi32>
          %mul3A_138 = arith.muli %min3A_113, %mul3A_137 : vector<16xi32>
          %add3A_139 = arith.addi %mul3A_138, %min3A_117 : vector<16xi32>
          %mul3A_140 = arith.constant 512 : i32
          %mul3A_141 = vector.broadcast %mul3A_140 : i32 to vector<16xi32>
          %mul3A_142 = arith.muli %add3A_139, %mul3A_141 : vector<16xi32>
          %add3A_143 = arith.addi %mul3A_142, %min3A_121 : vector<16xi32>
          %add3A_144 = vector.broadcast %mul3A_96 : i32 to vector<16xi32>
          %add3A_145 = arith.addi %add3A_144, %iota3A : vector<16xi32>
          %mul3A_146 = arith.constant 8 : i32
          %mul3A_147 = vector.broadcast %mul3A_146 : i32 to vector<16xi32>
          %mul3A_148 = arith.muli %add3A_145, %mul3A_147 : vector<16xi32>
          tpu.vector_store_idx %arg11[%mul3A_148], %add3A_143 : memref<16384xi32, #tpu.memory_space<vmem>>[vector<16xi32>], vector<16xi32>,
          %add3A_149 = arith.constant 1 : i32
          %add3A_150 = vector.broadcast %add3A_149 : i32 to vector<16xi32>
          %add3A_151 = arith.addi %mul3A_148, %add3A_150 : vector<16xi32>
          %add3A_152 = arith.constant 1 : i32
          %add3A_153 = vector.broadcast %add3A_152 : i32 to vector<16xi32>
          %add3A_154 = arith.addi %add3A_143, %add3A_153 : vector<16xi32>
          tpu.vector_store_idx %arg11[%add3A_151], %add3A_154 : memref<16384xi32, #tpu.memory_space<vmem>>[vector<16xi32>], vector<16xi32>,
          %add3A_155 = arith.constant 2 : i32
          %add3A_156 = vector.broadcast %add3A_155 : i32 to vector<16xi32>
          %add3A_157 = arith.addi %mul3A_148, %add3A_156 : vector<16xi32>
          %add3A_158 = arith.constant 512 : i32
          %add3A_159 = vector.broadcast %add3A_158 : i32 to vector<16xi32>
          %add3A_160 = arith.addi %add3A_143, %add3A_159 : vector<16xi32>
          tpu.vector_store_idx %arg11[%add3A_157], %add3A_160 : memref<16384xi32, #tpu.memory_space<vmem>>[vector<16xi32>], vector<16xi32>,
          %add3A_161 = arith.constant 3 : i32
          %add3A_162 = vector.broadcast %add3A_161 : i32 to vector<16xi32>
          %add3A_163 = arith.addi %mul3A_148, %add3A_162 : vector<16xi32>
          %add3A_164 = arith.constant 513 : i32
          %add3A_165 = vector.broadcast %add3A_164 : i32 to vector<16xi32>
          %add3A_166 = arith.addi %add3A_143, %add3A_165 : vector<16xi32>
          tpu.vector_store_idx %arg11[%add3A_163], %add3A_166 : memref<16384xi32, #tpu.memory_space<vmem>>[vector<16xi32>], vector<16xi32>,
          %add3A_167 = arith.constant 4 : i32
          %add3A_168 = vector.broadcast %add3A_167 : i32 to vector<16xi32>
          %add3A_169 = arith.addi %mul3A_148, %add3A_168 : vector<16xi32>
          %add3A_170 = arith.constant 262144 : i32
          %add3A_171 = vector.broadcast %add3A_170 : i32 to vector<16xi32>
          %add3A_172 = arith.addi %add3A_143, %add3A_171 : vector<16xi32>
          tpu.vector_store_idx %arg11[%add3A_169], %add3A_172 : memref<16384xi32, #tpu.memory_space<vmem>>[vector<16xi32>], vector<16xi32>,
          %add3A_173 = arith.constant 5 : i32
          %add3A_174 = vector.broadcast %add3A_173 : i32 to vector<16xi32>
          %add3A_175 = arith.addi %mul3A_148, %add3A_174 : vector<16xi32>
          %add3A_176 = arith.constant 262145 : i32
          %add3A_177 = vector.broadcast %add3A_176 : i32 to vector<16xi32>
          %add3A_178 = arith.addi %add3A_143, %add3A_177 : vector<16xi32>
          tpu.vector_store_idx %arg11[%add3A_175], %add3A_178 : memref<16384xi32, #tpu.memory_space<vmem>>[vector<16xi32>], vector<16xi32>,
          %add3A_179 = arith.constant 6 : i32
          %add3A_180 = vector.broadcast %add3A_179 : i32 to vector<16xi32>
          %add3A_181 = arith.addi %mul3A_148, %add3A_180 : vector<16xi32>
          %add3A_182 = arith.constant 262656 : i32
          %add3A_183 = vector.broadcast %add3A_182 : i32 to vector<16xi32>
          %add3A_184 = arith.addi %add3A_143, %add3A_183 : vector<16xi32>
          tpu.vector_store_idx %arg11[%add3A_181], %add3A_184 : memref<16384xi32, #tpu.memory_space<vmem>>[vector<16xi32>], vector<16xi32>,
          %add3A_185 = arith.constant 7 : i32
          %add3A_186 = vector.broadcast %add3A_185 : i32 to vector<16xi32>
          %add3A_187 = arith.addi %mul3A_148, %add3A_186 : vector<16xi32>
          %add3A_188 = arith.constant 262657 : i32
          %add3A_189 = vector.broadcast %add3A_188 : i32 to vector<16xi32>
          %add3A_190 = arith.addi %add3A_143, %add3A_189 : vector<16xi32>
          tpu.vector_store_idx %arg11[%add3A_187], %add3A_190 : memref<16384xi32, #tpu.memory_space<vmem>>[vector<16xi32>], vector<16xi32>,
        }
        %scan3A_91 = arith.constant 128 : i32
        %dma_start3A_92 = arith.constant 0 : i32
        %dma_start3A_93 = tpu.memref_slice %arg3[%dma_start3A_92] : memref<134217728xf32, #tpu.memory_space<hbm>> -> memref<134217728xf32, #tpu.memory_space<hbm>>
        tpu.enqueue_indirect_dma source(%dma_start3A_93 : memref<134217728xf32, #tpu.memory_space<hbm>>) target(%arg13 : memref<16384xf32, #tpu.memory_space<vmem>>) offsets(%arg11 : memref<16384xi32, #tpu.memory_space<vmem>>) semaphore(%arg18 : memref<!tpu.dma_semaphore, #tpu.memory_space<semaphore_mem>>)
      } else {
      }
      %dma_wait3A = arith.constant 0 : i32
      %dma_wait3A_39 = tpu.memref_slice %arg3[%dma_wait3A] : memref<134217728xf32, #tpu.memory_space<hbm>> -> memref<134217728xf32, #tpu.memory_space<hbm>>
      tpu.wait_indirect_dma semaphore(%arg17 : memref<!tpu.dma_semaphore, #tpu.memory_space<semaphore_mem>>) src(%dma_wait3A_39 : memref<134217728xf32, #tpu.memory_space<hbm>>) dst(%arg12 : memref<16384xf32, #tpu.memory_space<vmem>>)
      %mul3A_40 = arith.constant 2048 : i32
      %mul3A_41 = arith.muli %add3A_34, %mul3A_40 : i32
      %add3A_42 = arith.addi %mul3A_2, %mul3A_41 : i32
      %scan3A_43 = arith.constant 0 : i32
      %scan3A_44 = arith.constant 0 : i32
      %scan3A_45 = arith.constant 128 : i32
      %scan3A_46 = arith.addi %scan3A_44, %scan3A_45 : i32
      %scan3A_47 = arith.constant 1 : i32
      scf.for %scan3A_71 = %scan3A_44 to %scan3A_46 step %scan3A_47  : i32 {
        %mul3A_72 = arith.constant 16 : i32
        %mul3A_73 = arith.muli %scan3A_71, %mul3A_72 : i32
        %get3A = arith.index_cast %mul3A_73 : i32 to index
        %get3A_74 = tpu.vector_load %arg14[%get3A] {strides = array<i32>} : memref<6144xf32, #tpu.memory_space<vmem>>, vector<16xf32>,
        %add3A_75 = arith.constant 2048 : i32
        %add3A_76 = arith.addi %add3A_75, %mul3A_73 : i32
        %get3A_77 = arith.index_cast %add3A_76 : i32 to index
        %get3A_78 = tpu.vector_load %arg14[%get3A_77] {strides = array<i32>} : memref<6144xf32, #tpu.memory_space<vmem>>, vector<16xf32>,
        %add3A_79 = arith.constant 4096 : i32
        %add3A_80 = arith.addi %add3A_79, %mul3A_73 : i32
        %get3A_81 = arith.index_cast %add3A_80 : i32 to index
        %get3A_82 = tpu.vector_load %arg14[%get3A_81] {strides = array<i32>} : memref<6144xf32, #tpu.memory_space<vmem>>, vector<16xf32>,
        %add3A_83 = vector.broadcast %mul3A_73 : i32 to vector<16xi32>
        %add3A_84 = arith.addi %add3A_83, %iota3A : vector<16xi32>
        %mul3A_85 = arith.constant 8 : i32
        %mul3A_86 = vector.broadcast %mul3A_85 : i32 to vector<16xi32>
        %mul3A_87 = arith.muli %add3A_84, %mul3A_86 : vector<16xi32>
        %gather3A = tpu.vector_load_idx %arg12[%mul3A_87] : memref<16384xf32, #tpu.memory_space<vmem>>[vector<16xi32>], vector<16xf32>,
        %add3A_88 = arith.constant 1 : i32
        %add3A_89 = vector.broadcast %add3A_88 : i32 to vector<16xi32>
        %add3A_90 = arith.addi %mul3A_87, %add3A_89 : vector<16xi32>
        %gather3A_91 = tpu.vector_load_idx %arg12[%add3A_90] : memref<16384xf32, #tpu.memory_space<vmem>>[vector<16xi32>], vector<16xf32>,
        %add3A_92 = arith.constant 2 : i32
        %add3A_93 = vector.broadcast %add3A_92 : i32 to vector<16xi32>
        %add3A_94 = arith.addi %mul3A_87, %add3A_93 : vector<16xi32>
        %gather3A_95 = tpu.vector_load_idx %arg12[%add3A_94] : memref<16384xf32, #tpu.memory_space<vmem>>[vector<16xi32>], vector<16xf32>,
        %add3A_96 = arith.constant 3 : i32
        %add3A_97 = vector.broadcast %add3A_96 : i32 to vector<16xi32>
        %add3A_98 = arith.addi %mul3A_87, %add3A_97 : vector<16xi32>
        %gather3A_99 = tpu.vector_load_idx %arg12[%add3A_98] : memref<16384xf32, #tpu.memory_space<vmem>>[vector<16xi32>], vector<16xf32>,
        %add3A_100 = arith.constant 4 : i32
        %add3A_101 = vector.broadcast %add3A_100 : i32 to vector<16xi32>
        %add3A_102 = arith.addi %mul3A_87, %add3A_101 : vector<16xi32>
        %gather3A_103 = tpu.vector_load_idx %arg12[%add3A_102] : memref<16384xf32, #tpu.memory_space<vmem>>[vector<16xi32>], vector<16xf32>,
        %add3A_104 = arith.constant 5 : i32
        %add3A_105 = vector.broadcast %add3A_104 : i32 to vector<16xi32>
        %add3A_106 = arith.addi %mul3A_87, %add3A_105 : vector<16xi32>
        %gather3A_107 = tpu.vector_load_idx %arg12[%add3A_106] : memref<16384xf32, #tpu.memory_space<vmem>>[vector<16xi32>], vector<16xf32>,
        %add3A_108 = arith.constant 6 : i32
        %add3A_109 = vector.broadcast %add3A_108 : i32 to vector<16xi32>
        %add3A_110 = arith.addi %mul3A_87, %add3A_109 : vector<16xi32>
        %gather3A_111 = tpu.vector_load_idx %arg12[%add3A_110] : memref<16384xf32, #tpu.memory_space<vmem>>[vector<16xi32>], vector<16xf32>,
        %add3A_112 = arith.constant 7 : i32
        %add3A_113 = vector.broadcast %add3A_112 : i32 to vector<16xi32>
        %add3A_114 = arith.addi %mul3A_87, %add3A_113 : vector<16xi32>
        %gather3A_115 = tpu.vector_load_idx %arg12[%add3A_114] : memref<16384xf32, #tpu.memory_space<vmem>>[vector<16xi32>], vector<16xf32>,
        %sub3A = arith.subf %gather3A_91, %gather3A : vector<16xf32>
        %mul3A_116 = arith.mulf %get3A_82, %sub3A : vector<16xf32>
        %add3A_117 = arith.addf %gather3A, %mul3A_116 : vector<16xf32>
        %sub3A_118 = arith.subf %gather3A_99, %gather3A_95 : vector<16xf32>
        %mul3A_119 = arith.mulf %get3A_82, %sub3A_118 : vector<16xf32>
        %add3A_120 = arith.addf %gather3A_95, %mul3A_119 : vector<16xf32>
        %sub3A_121 = arith.subf %gather3A_107, %gather3A_103 : vector<16xf32>
        %mul3A_122 = arith.mulf %get3A_82, %sub3A_121 : vector<16xf32>
        %add3A_123 = arith.addf %gather3A_103, %mul3A_122 : vector<16xf32>
        %sub3A_124 = arith.subf %gather3A_115, %gather3A_111 : vector<16xf32>
        %mul3A_125 = arith.mulf %get3A_82, %sub3A_124 : vector<16xf32>
        %add3A_126 = arith.addf %gather3A_111, %mul3A_125 : vector<16xf32>
        %sub3A_127 = arith.subf %add3A_120, %add3A_117 : vector<16xf32>
        %mul3A_128 = arith.mulf %get3A_78, %sub3A_127 : vector<16xf32>
        %add3A_129 = arith.addf %add3A_117, %mul3A_128 : vector<16xf32>
        %sub3A_130 = arith.subf %add3A_126, %add3A_123 : vector<16xf32>
        %mul3A_131 = arith.mulf %get3A_78, %sub3A_130 : vector<16xf32>
        %add3A_132 = arith.addf %add3A_123, %mul3A_131 : vector<16xf32>
        %sub3A_133 = arith.subf %add3A_132, %add3A_129 : vector<16xf32>
        %mul3A_134 = arith.mulf %get3A_74, %sub3A_133 : vector<16xf32>
        %add3A_135 = arith.addf %add3A_129, %mul3A_134 : vector<16xf32>
        %swap3A = arith.index_cast %mul3A_73 : i32 to index
        %swap3A_136 = tpu.vector_load %arg16[%swap3A] {strides = array<i32>} : memref<2048xf32, #tpu.memory_space<vmem>>, vector<16xf32>,
        tpu.vector_store %arg16[%swap3A], %add3A_135 {strides = array<i32>} : memref<2048xf32, #tpu.memory_space<vmem>>, vector<16xf32>,
      }
      %scan3A_48 = arith.constant 128 : i32
      "tpu.region"() ({
        %run_scoped3A = tpu.sem_alloc : memref<!tpu.dma_semaphore, #tpu.memory_space<semaphore_mem>>
        %dma_start3A_71 = tpu.memref_slice %arg4[%add3A_42] : memref<2097152xf32, #tpu.memory_space<hbm>> -> memref<2048xf32, #tpu.memory_space<hbm>>
        %dma_start3A_72 = tpu.memref_slice %arg4[%add3A_42] : memref<2097152xf32, #tpu.memory_space<hbm>> -> memref<2048xf32, #tpu.memory_space<hbm>>
        tpu.enqueue_dma source(%arg16 : memref<2048xf32, #tpu.memory_space<vmem>>) target(%dma_start3A_72 : memref<2048xf32, #tpu.memory_space<hbm>>) target_semaphore(%run_scoped3A : memref<!tpu.dma_semaphore, #tpu.memory_space<semaphore_mem>>)
        %dma_wait3A_73 = tpu.memref_slice %arg4[%add3A_42] : memref<2097152xf32, #tpu.memory_space<hbm>> -> memref<2048xf32, #tpu.memory_space<hbm>>
        %dma_wait3A_74 = tpu.memref_slice %arg4[%add3A_42] : memref<2097152xf32, #tpu.memory_space<hbm>> -> memref<2048xf32, #tpu.memory_space<hbm>>
        tpu.wait_dma2 semaphore(%run_scoped3A : memref<!tpu.dma_semaphore, #tpu.memory_space<semaphore_mem>>) src(%arg16 : memref<2048xf32, #tpu.memory_space<vmem>>) dst(%dma_wait3A_74 : memref<2048xf32, #tpu.memory_space<hbm>>)
        tpu.yield
      }) : () -> ()
      %mul3A_49 = arith.constant 2 : i32
      %mul3A_50 = arith.muli %scan3A_30, %mul3A_49 : i32
      %add3A_51 = arith.constant 1 : i32
      %add3A_52 = arith.addi %mul3A_50, %add3A_51 : i32
      %add3A_53 = arith.constant 1 : i32
      %add3A_54 = arith.addi %add3A_52, %add3A_53 : i32
      %lt3A_55 = arith.constant 32 : i32
      %lt3A_56 = arith.cmpi slt, %add3A_54, %lt3A_55 : i32
      %convert_element_type3A_57 = arith.extui %lt3A_56 : i1 to i32
      %cond3A_58 = arith.constant 0 : i32
      %cond3A_59 = arith.cmpi ne, %convert_element_type3A_57, %cond3A_58 : i32
      scf.if %cond3A_59 {
        %add3A_71 = arith.constant 1 : i32
        %add3A_72 = arith.addi %add3A_52, %add3A_71 : i32
        %mul3A_73 = arith.constant 2048 : i32
        %mul3A_74 = arith.muli %add3A_72, %mul3A_73 : i32
        %add3A_75 = arith.addi %mul3A_2, %mul3A_74 : i32
        %dma_start3A_76 = arith.constant 0 : i32
        %dma_start3A_77 = tpu.memref_slice %arg2[%add3A_75, %dma_start3A_76] : memref<2097152x3xf32, #tpu.memory_space<hbm>> -> memref<128x3xf32, #tpu.memory_space<hbm>>
        %dma_start3A_78 = arith.constant 0 : i32
        %dma_start3A_79 = tpu.memref_slice %arg2[%add3A_75, %dma_start3A_78] : memref<2097152x3xf32, #tpu.memory_space<hbm>> -> memref<128x3xf32, #tpu.memory_space<hbm>>
        tpu.enqueue_dma source(%dma_start3A_79 : memref<128x3xf32, #tpu.memory_space<hbm>>) target(%arg5 : memref<128x3xf32, #tpu.memory_space<vmem>>) target_semaphore(%arg19 : memref<!tpu.dma_semaphore, #tpu.memory_space<semaphore_mem>>)
        %scan3A_80 = arith.constant 0 : i32
        %scan3A_81 = arith.constant 0 : i32
        %scan3A_82 = arith.constant 8 : i32
        %scan3A_83 = arith.addi %scan3A_81, %scan3A_82 : i32
        %scan3A_84 = arith.constant 1 : i32
        scf.for %scan3A_94 = %scan3A_81 to %scan3A_83 step %scan3A_84  : i32 {
          %mul3A_95 = arith.constant 2 : i32
          %mul3A_96 = arith.muli %scan3A_94, %mul3A_95 : i32
          %add3A_97 = arith.constant 0 : i32
          %add3A_98 = arith.addi %mul3A_96, %add3A_97 : i32
          %add3A_99 = arith.constant 1 : i32
          %add3A_100 = arith.addi %add3A_98, %add3A_99 : i32
          %lt3A_101 = arith.constant 16 : i32
          %lt3A_102 = arith.cmpi slt, %add3A_100, %lt3A_101 : i32
          %convert_element_type3A_103 = arith.extui %lt3A_102 : i1 to i32
          %cond3A_104 = arith.constant 0 : i32
          %cond3A_105 = arith.cmpi ne, %convert_element_type3A_103, %cond3A_104 : i32
          scf.if %cond3A_105 {
            %add3A_143 = arith.constant 1 : i32
            %add3A_144 = arith.addi %add3A_98, %add3A_143 : i32
            %mul3A_145 = arith.constant 128 : i32
            %mul3A_146 = arith.muli %add3A_144, %mul3A_145 : i32
            %add3A_147 = arith.addi %add3A_75, %mul3A_146 : i32
            %dma_start3A_148 = arith.constant 0 : i32
            %dma_start3A_149 = tpu.memref_slice %arg2[%add3A_147, %dma_start3A_148] : memref<2097152x3xf32, #tpu.memory_space<hbm>> -> memref<128x3xf32, #tpu.memory_space<hbm>>
            %dma_start3A_150 = arith.constant 0 : i32
            %dma_start3A_151 = tpu.memref_slice %arg2[%add3A_147, %dma_start3A_150] : memref<2097152x3xf32, #tpu.memory_space<hbm>> -> memref<128x3xf32, #tpu.memory_space<hbm>>
            tpu.enqueue_dma source(%dma_start3A_151 : memref<128x3xf32, #tpu.memory_space<hbm>>) target(%arg6 : memref<128x3xf32, #tpu.memory_space<vmem>>) target_semaphore(%arg20 : memref<!tpu.dma_semaphore, #tpu.memory_space<semaphore_mem>>)
          } else {
          }
          %mul3A_106 = arith.constant 128 : i32
          %mul3A_107 = arith.muli %add3A_98, %mul3A_106 : i32
          %add3A_108 = arith.addi %add3A_75, %mul3A_107 : i32
          %dma_wait3A_109 = arith.constant 0 : i32
          %dma_wait3A_110 = tpu.memref_slice %arg2[%add3A_108, %dma_wait3A_109] : memref<2097152x3xf32, #tpu.memory_space<hbm>> -> memref<128x3xf32, #tpu.memory_space<hbm>>
          %dma_wait3A_111 = arith.constant 0 : i32
          %dma_wait3A_112 = tpu.memref_slice %arg2[%add3A_108, %dma_wait3A_111] : memref<2097152x3xf32, #tpu.memory_space<hbm>> -> memref<128x3xf32, #tpu.memory_space<hbm>>
          tpu.wait_dma2 semaphore(%arg19 : memref<!tpu.dma_semaphore, #tpu.memory_space<semaphore_mem>>) src(%dma_wait3A_112 : memref<128x3xf32, #tpu.memory_space<hbm>>) dst(%arg5 : memref<128x3xf32, #tpu.memory_space<vmem>>)
          %scan3A_113 = arith.constant 0 : i32
          %scan3A_114 = arith.constant 0 : i32
          %scan3A_115 = arith.constant 8 : i32
          %scan3A_116 = arith.addi %scan3A_114, %scan3A_115 : i32
          %scan3A_117 = arith.constant 1 : i32
          scf.for %scan3A_143 = %scan3A_114 to %scan3A_116 step %scan3A_117  : i32 {
            %mul3A_144 = arith.constant 16 : i32
            %mul3A_145 = arith.muli %scan3A_143, %mul3A_144 : i32
            %mul3A_146 = arith.constant 128 : i32
            %mul3A_147 = arith.muli %add3A_98, %mul3A_146 : i32
            %add3A_148 = arith.addi %mul3A_147, %mul3A_145 : i32
            %add3A_149 = vector.broadcast %mul3A_145 : i32 to vector<16xi32>
            %add3A_150 = arith.addi %add3A_149, %iota3A : vector<16xi32>
            %gather3A = tpu.vector_load_idx %arg5[%add3A_150, %mul3A_5] : memref<128x3xf32, #tpu.memory_space<vmem>>[vector<16xi32>, vector<16xi32>], vector<16xf32>,
            %swap3A = arith.index_cast %add3A_148 : i32 to index
            %swap3A_151 = tpu.vector_load %arg7[%swap3A] {strides = array<i32>} : memref<2048xf32, #tpu.memory_space<vmem>>, vector<16xf32>,
            tpu.vector_store %arg7[%swap3A], %gather3A {strides = array<i32>} : memref<2048xf32, #tpu.memory_space<vmem>>, vector<16xf32>,
            %add3A_152 = vector.broadcast %mul3A_145 : i32 to vector<16xi32>
            %add3A_153 = arith.addi %add3A_152, %iota3A : vector<16xi32>
            %add3A_154 = arith.constant 1 : i32
            %add3A_155 = vector.broadcast %add3A_154 : i32 to vector<16xi32>
            %add3A_156 = arith.addi %mul3A_5, %add3A_155 : vector<16xi32>
            %gather3A_157 = tpu.vector_load_idx %arg5[%add3A_153, %add3A_156] : memref<128x3xf32, #tpu.memory_space<vmem>>[vector<16xi32>, vector<16xi32>], vector<16xf32>,
            %swap3A_158 = arith.index_cast %add3A_148 : i32 to index
            %swap3A_159 = tpu.vector_load %arg8[%swap3A_158] {strides = array<i32>} : memref<2048xf32, #tpu.memory_space<vmem>>, vector<16xf32>,
            tpu.vector_store %arg8[%swap3A_158], %gather3A_157 {strides = array<i32>} : memref<2048xf32, #tpu.memory_space<vmem>>, vector<16xf32>,
            %add3A_160 = vector.broadcast %mul3A_145 : i32 to vector<16xi32>
            %add3A_161 = arith.addi %add3A_160, %iota3A : vector<16xi32>
            %add3A_162 = arith.constant 2 : i32
            %add3A_163 = vector.broadcast %add3A_162 : i32 to vector<16xi32>
            %add3A_164 = arith.addi %mul3A_5, %add3A_163 : vector<16xi32>
            %gather3A_165 = tpu.vector_load_idx %arg5[%add3A_161, %add3A_164] : memref<128x3xf32, #tpu.memory_space<vmem>>[vector<16xi32>, vector<16xi32>], vector<16xf32>,
            %swap3A_166 = arith.index_cast %add3A_148 : i32 to index
            %swap3A_167 = tpu.vector_load %arg9[%swap3A_166] {strides = array<i32>} : memref<2048xf32, #tpu.memory_space<vmem>>, vector<16xf32>,
            tpu.vector_store %arg9[%swap3A_166], %gather3A_165 {strides = array<i32>} : memref<2048xf32, #tpu.memory_space<vmem>>, vector<16xf32>,
          }
          %scan3A_118 = arith.constant 8 : i32
          %mul3A_119 = arith.constant 2 : i32
          %mul3A_120 = arith.muli %scan3A_94, %mul3A_119 : i32
          %add3A_121 = arith.constant 1 : i32
          %add3A_122 = arith.addi %mul3A_120, %add3A_121 : i32
          %add3A_123 = arith.constant 1 : i32
          %add3A_124 = arith.addi %add3A_122, %add3A_123 : i32
          %lt3A_125 = arith.constant 16 : i32
          %lt3A_126 = arith.cmpi slt, %add3A_124, %lt3A_125 : i32
          %convert_element_type3A_127 = arith.extui %lt3A_126 : i1 to i32
          %cond3A_128 = arith.constant 0 : i32
          %cond3A_129 = arith.cmpi ne, %convert_element_type3A_127, %cond3A_128 : i32
          scf.if %cond3A_129 {
            %add3A_143 = arith.constant 1 : i32
            %add3A_144 = arith.addi %add3A_122, %add3A_143 : i32
            %mul3A_145 = arith.constant 128 : i32
            %mul3A_146 = arith.muli %add3A_144, %mul3A_145 : i32
            %add3A_147 = arith.addi %add3A_75, %mul3A_146 : i32
            %dma_start3A_148 = arith.constant 0 : i32
            %dma_start3A_149 = tpu.memref_slice %arg2[%add3A_147, %dma_start3A_148] : memref<2097152x3xf32, #tpu.memory_space<hbm>> -> memref<128x3xf32, #tpu.memory_space<hbm>>
            %dma_start3A_150 = arith.constant 0 : i32
            %dma_start3A_151 = tpu.memref_slice %arg2[%add3A_147, %dma_start3A_150] : memref<2097152x3xf32, #tpu.memory_space<hbm>> -> memref<128x3xf32, #tpu.memory_space<hbm>>
            tpu.enqueue_dma source(%dma_start3A_151 : memref<128x3xf32, #tpu.memory_space<hbm>>) target(%arg5 : memref<128x3xf32, #tpu.memory_space<vmem>>) target_semaphore(%arg19 : memref<!tpu.dma_semaphore, #tpu.memory_space<semaphore_mem>>)
          } else {
          }
          %mul3A_130 = arith.constant 128 : i32
          %mul3A_131 = arith.muli %add3A_122, %mul3A_130 : i32
          %add3A_132 = arith.addi %add3A_75, %mul3A_131 : i32
          %dma_wait3A_133 = arith.constant 0 : i32
          %dma_wait3A_134 = tpu.memref_slice %arg2[%add3A_132, %dma_wait3A_133] : memref<2097152x3xf32, #tpu.memory_space<hbm>> -> memref<128x3xf32, #tpu.memory_space<hbm>>
          %dma_wait3A_135 = arith.constant 0 : i32
          %dma_wait3A_136 = tpu.memref_slice %arg2[%add3A_132, %dma_wait3A_135] : memref<2097152x3xf32, #tpu.memory_space<hbm>> -> memref<128x3xf32, #tpu.memory_space<hbm>>
          tpu.wait_dma2 semaphore(%arg20 : memref<!tpu.dma_semaphore, #tpu.memory_space<semaphore_mem>>) src(%dma_wait3A_136 : memref<128x3xf32, #tpu.memory_space<hbm>>) dst(%arg6 : memref<128x3xf32, #tpu.memory_space<vmem>>)
          %scan3A_137 = arith.constant 0 : i32
          %scan3A_138 = arith.constant 0 : i32
          %scan3A_139 = arith.constant 8 : i32
          %scan3A_140 = arith.addi %scan3A_138, %scan3A_139 : i32
          %scan3A_141 = arith.constant 1 : i32
          scf.for %scan3A_143 = %scan3A_138 to %scan3A_140 step %scan3A_141  : i32 {
            %mul3A_144 = arith.constant 16 : i32
            %mul3A_145 = arith.muli %scan3A_143, %mul3A_144 : i32
            %mul3A_146 = arith.constant 128 : i32
            %mul3A_147 = arith.muli %add3A_122, %mul3A_146 : i32
            %add3A_148 = arith.addi %mul3A_147, %mul3A_145 : i32
            %add3A_149 = vector.broadcast %mul3A_145 : i32 to vector<16xi32>
            %add3A_150 = arith.addi %add3A_149, %iota3A : vector<16xi32>
            %gather3A = tpu.vector_load_idx %arg6[%add3A_150, %mul3A_5] : memref<128x3xf32, #tpu.memory_space<vmem>>[vector<16xi32>, vector<16xi32>], vector<16xf32>,
            %swap3A = arith.index_cast %add3A_148 : i32 to index
            %swap3A_151 = tpu.vector_load %arg7[%swap3A] {strides = array<i32>} : memref<2048xf32, #tpu.memory_space<vmem>>, vector<16xf32>,
            tpu.vector_store %arg7[%swap3A], %gather3A {strides = array<i32>} : memref<2048xf32, #tpu.memory_space<vmem>>, vector<16xf32>,
            %add3A_152 = vector.broadcast %mul3A_145 : i32 to vector<16xi32>
            %add3A_153 = arith.addi %add3A_152, %iota3A : vector<16xi32>
            %add3A_154 = arith.constant 1 : i32
            %add3A_155 = vector.broadcast %add3A_154 : i32 to vector<16xi32>
            %add3A_156 = arith.addi %mul3A_5, %add3A_155 : vector<16xi32>
            %gather3A_157 = tpu.vector_load_idx %arg6[%add3A_153, %add3A_156] : memref<128x3xf32, #tpu.memory_space<vmem>>[vector<16xi32>, vector<16xi32>], vector<16xf32>,
            %swap3A_158 = arith.index_cast %add3A_148 : i32 to index
            %swap3A_159 = tpu.vector_load %arg8[%swap3A_158] {strides = array<i32>} : memref<2048xf32, #tpu.memory_space<vmem>>, vector<16xf32>,
            tpu.vector_store %arg8[%swap3A_158], %gather3A_157 {strides = array<i32>} : memref<2048xf32, #tpu.memory_space<vmem>>, vector<16xf32>,
            %add3A_160 = vector.broadcast %mul3A_145 : i32 to vector<16xi32>
            %add3A_161 = arith.addi %add3A_160, %iota3A : vector<16xi32>
            %add3A_162 = arith.constant 2 : i32
            %add3A_163 = vector.broadcast %add3A_162 : i32 to vector<16xi32>
            %add3A_164 = arith.addi %mul3A_5, %add3A_163 : vector<16xi32>
            %gather3A_165 = tpu.vector_load_idx %arg6[%add3A_161, %add3A_164] : memref<128x3xf32, #tpu.memory_space<vmem>>[vector<16xi32>, vector<16xi32>], vector<16xf32>,
            %swap3A_166 = arith.index_cast %add3A_148 : i32 to index
            %swap3A_167 = tpu.vector_load %arg9[%swap3A_166] {strides = array<i32>} : memref<2048xf32, #tpu.memory_space<vmem>>, vector<16xf32>,
            tpu.vector_store %arg9[%swap3A_166], %gather3A_165 {strides = array<i32>} : memref<2048xf32, #tpu.memory_space<vmem>>, vector<16xf32>,
          }
          %scan3A_142 = arith.constant 8 : i32
        }
        %scan3A_85 = arith.constant 8 : i32
        %scan3A_86 = arith.constant 0 : i32
        %scan3A_87 = arith.constant 0 : i32
        %scan3A_88 = arith.constant 128 : i32
        %scan3A_89 = arith.addi %scan3A_87, %scan3A_88 : i32
        %scan3A_90 = arith.constant 1 : i32
        scf.for %scan3A_94 = %scan3A_87 to %scan3A_89 step %scan3A_90  : i32 {
          %mul3A_95 = arith.constant 16 : i32
          %mul3A_96 = arith.muli %scan3A_94, %mul3A_95 : i32
          %get3A = arith.index_cast %mul3A_96 : i32 to index
          %get3A_97 = tpu.vector_load %arg7[%get3A] {strides = array<i32>} : memref<2048xf32, #tpu.memory_space<vmem>>, vector<16xf32>,
          %mul3A_98 = arith.constant 5.110000e+02 : f32
          %mul3A_99 = vector.broadcast %mul3A_98 : f32 to vector<16xf32>
          %mul3A_100 = arith.mulf %get3A_97, %mul3A_99 : vector<16xf32>
          %get3A_101 = arith.index_cast %mul3A_96 : i32 to index
          %get3A_102 = tpu.vector_load %arg8[%get3A_101] {strides = array<i32>} : memref<2048xf32, #tpu.memory_space<vmem>>, vector<16xf32>,
          %mul3A_103 = arith.constant 5.110000e+02 : f32
          %mul3A_104 = vector.broadcast %mul3A_103 : f32 to vector<16xf32>
          %mul3A_105 = arith.mulf %get3A_102, %mul3A_104 : vector<16xf32>
          %get3A_106 = arith.index_cast %mul3A_96 : i32 to index
          %get3A_107 = tpu.vector_load %arg9[%get3A_106] {strides = array<i32>} : memref<2048xf32, #tpu.memory_space<vmem>>, vector<16xf32>,
          %mul3A_108 = arith.constant 5.110000e+02 : f32
          %mul3A_109 = vector.broadcast %mul3A_108 : f32 to vector<16xf32>
          %mul3A_110 = arith.mulf %get3A_107, %mul3A_109 : vector<16xf32>
          %convert_element_type3A_111 = arith.fptosi %mul3A_100 : vector<16xf32> to vector<16xi32>
          %min3A = arith.constant 510 : i32
          %min3A_112 = vector.broadcast %min3A : i32 to vector<16xi32>
          %min3A_113 = arith.minsi %convert_element_type3A_111, %min3A_112 : vector<16xi32>
          %convert_element_type3A_114 = arith.fptosi %mul3A_105 : vector<16xf32> to vector<16xi32>
          %min3A_115 = arith.constant 510 : i32
          %min3A_116 = vector.broadcast %min3A_115 : i32 to vector<16xi32>
          %min3A_117 = arith.minsi %convert_element_type3A_114, %min3A_116 : vector<16xi32>
          %convert_element_type3A_118 = arith.fptosi %mul3A_110 : vector<16xf32> to vector<16xi32>
          %min3A_119 = arith.constant 510 : i32
          %min3A_120 = vector.broadcast %min3A_119 : i32 to vector<16xi32>
          %min3A_121 = arith.minsi %convert_element_type3A_118, %min3A_120 : vector<16xi32>
          %convert_element_type3A_122 = arith.sitofp %min3A_113 : vector<16xi32> to vector<16xf32>
          %sub3A = arith.subf %mul3A_100, %convert_element_type3A_122 : vector<16xf32>
          %swap3A = arith.index_cast %mul3A_96 : i32 to index
          %swap3A_123 = tpu.vector_load %arg14[%swap3A] {strides = array<i32>} : memref<6144xf32, #tpu.memory_space<vmem>>, vector<16xf32>,
          tpu.vector_store %arg14[%swap3A], %sub3A {strides = array<i32>} : memref<6144xf32, #tpu.memory_space<vmem>>, vector<16xf32>,
          %convert_element_type3A_124 = arith.sitofp %min3A_117 : vector<16xi32> to vector<16xf32>
          %sub3A_125 = arith.subf %mul3A_105, %convert_element_type3A_124 : vector<16xf32>
          %add3A_126 = arith.constant 2048 : i32
          %add3A_127 = arith.addi %add3A_126, %mul3A_96 : i32
          %swap3A_128 = arith.index_cast %add3A_127 : i32 to index
          %swap3A_129 = tpu.vector_load %arg14[%swap3A_128] {strides = array<i32>} : memref<6144xf32, #tpu.memory_space<vmem>>, vector<16xf32>,
          tpu.vector_store %arg14[%swap3A_128], %sub3A_125 {strides = array<i32>} : memref<6144xf32, #tpu.memory_space<vmem>>, vector<16xf32>,
          %convert_element_type3A_130 = arith.sitofp %min3A_121 : vector<16xi32> to vector<16xf32>
          %sub3A_131 = arith.subf %mul3A_110, %convert_element_type3A_130 : vector<16xf32>
          %add3A_132 = arith.constant 4096 : i32
          %add3A_133 = arith.addi %add3A_132, %mul3A_96 : i32
          %swap3A_134 = arith.index_cast %add3A_133 : i32 to index
          %swap3A_135 = tpu.vector_load %arg14[%swap3A_134] {strides = array<i32>} : memref<6144xf32, #tpu.memory_space<vmem>>, vector<16xf32>,
          tpu.vector_store %arg14[%swap3A_134], %sub3A_131 {strides = array<i32>} : memref<6144xf32, #tpu.memory_space<vmem>>, vector<16xf32>,
          %mul3A_136 = arith.constant 512 : i32
          %mul3A_137 = vector.broadcast %mul3A_136 : i32 to vector<16xi32>
          %mul3A_138 = arith.muli %min3A_113, %mul3A_137 : vector<16xi32>
          %add3A_139 = arith.addi %mul3A_138, %min3A_117 : vector<16xi32>
          %mul3A_140 = arith.constant 512 : i32
          %mul3A_141 = vector.broadcast %mul3A_140 : i32 to vector<16xi32>
          %mul3A_142 = arith.muli %add3A_139, %mul3A_141 : vector<16xi32>
          %add3A_143 = arith.addi %mul3A_142, %min3A_121 : vector<16xi32>
          %add3A_144 = vector.broadcast %mul3A_96 : i32 to vector<16xi32>
          %add3A_145 = arith.addi %add3A_144, %iota3A : vector<16xi32>
          %mul3A_146 = arith.constant 8 : i32
          %mul3A_147 = vector.broadcast %mul3A_146 : i32 to vector<16xi32>
          %mul3A_148 = arith.muli %add3A_145, %mul3A_147 : vector<16xi32>
          tpu.vector_store_idx %arg10[%mul3A_148], %add3A_143 : memref<16384xi32, #tpu.memory_space<vmem>>[vector<16xi32>], vector<16xi32>,
          %add3A_149 = arith.constant 1 : i32
          %add3A_150 = vector.broadcast %add3A_149 : i32 to vector<16xi32>
          %add3A_151 = arith.addi %mul3A_148, %add3A_150 : vector<16xi32>
          %add3A_152 = arith.constant 1 : i32
          %add3A_153 = vector.broadcast %add3A_152 : i32 to vector<16xi32>
          %add3A_154 = arith.addi %add3A_143, %add3A_153 : vector<16xi32>
          tpu.vector_store_idx %arg10[%add3A_151], %add3A_154 : memref<16384xi32, #tpu.memory_space<vmem>>[vector<16xi32>], vector<16xi32>,
          %add3A_155 = arith.constant 2 : i32
          %add3A_156 = vector.broadcast %add3A_155 : i32 to vector<16xi32>
          %add3A_157 = arith.addi %mul3A_148, %add3A_156 : vector<16xi32>
          %add3A_158 = arith.constant 512 : i32
          %add3A_159 = vector.broadcast %add3A_158 : i32 to vector<16xi32>
          %add3A_160 = arith.addi %add3A_143, %add3A_159 : vector<16xi32>
          tpu.vector_store_idx %arg10[%add3A_157], %add3A_160 : memref<16384xi32, #tpu.memory_space<vmem>>[vector<16xi32>], vector<16xi32>,
          %add3A_161 = arith.constant 3 : i32
          %add3A_162 = vector.broadcast %add3A_161 : i32 to vector<16xi32>
          %add3A_163 = arith.addi %mul3A_148, %add3A_162 : vector<16xi32>
          %add3A_164 = arith.constant 513 : i32
          %add3A_165 = vector.broadcast %add3A_164 : i32 to vector<16xi32>
          %add3A_166 = arith.addi %add3A_143, %add3A_165 : vector<16xi32>
          tpu.vector_store_idx %arg10[%add3A_163], %add3A_166 : memref<16384xi32, #tpu.memory_space<vmem>>[vector<16xi32>], vector<16xi32>,
          %add3A_167 = arith.constant 4 : i32
          %add3A_168 = vector.broadcast %add3A_167 : i32 to vector<16xi32>
          %add3A_169 = arith.addi %mul3A_148, %add3A_168 : vector<16xi32>
          %add3A_170 = arith.constant 262144 : i32
          %add3A_171 = vector.broadcast %add3A_170 : i32 to vector<16xi32>
          %add3A_172 = arith.addi %add3A_143, %add3A_171 : vector<16xi32>
          tpu.vector_store_idx %arg10[%add3A_169], %add3A_172 : memref<16384xi32, #tpu.memory_space<vmem>>[vector<16xi32>], vector<16xi32>,
          %add3A_173 = arith.constant 5 : i32
          %add3A_174 = vector.broadcast %add3A_173 : i32 to vector<16xi32>
          %add3A_175 = arith.addi %mul3A_148, %add3A_174 : vector<16xi32>
          %add3A_176 = arith.constant 262145 : i32
          %add3A_177 = vector.broadcast %add3A_176 : i32 to vector<16xi32>
          %add3A_178 = arith.addi %add3A_143, %add3A_177 : vector<16xi32>
          tpu.vector_store_idx %arg10[%add3A_175], %add3A_178 : memref<16384xi32, #tpu.memory_space<vmem>>[vector<16xi32>], vector<16xi32>,
          %add3A_179 = arith.constant 6 : i32
          %add3A_180 = vector.broadcast %add3A_179 : i32 to vector<16xi32>
          %add3A_181 = arith.addi %mul3A_148, %add3A_180 : vector<16xi32>
          %add3A_182 = arith.constant 262656 : i32
          %add3A_183 = vector.broadcast %add3A_182 : i32 to vector<16xi32>
          %add3A_184 = arith.addi %add3A_143, %add3A_183 : vector<16xi32>
          tpu.vector_store_idx %arg10[%add3A_181], %add3A_184 : memref<16384xi32, #tpu.memory_space<vmem>>[vector<16xi32>], vector<16xi32>,
          %add3A_185 = arith.constant 7 : i32
          %add3A_186 = vector.broadcast %add3A_185 : i32 to vector<16xi32>
          %add3A_187 = arith.addi %mul3A_148, %add3A_186 : vector<16xi32>
          %add3A_188 = arith.constant 262657 : i32
          %add3A_189 = vector.broadcast %add3A_188 : i32 to vector<16xi32>
          %add3A_190 = arith.addi %add3A_143, %add3A_189 : vector<16xi32>
          tpu.vector_store_idx %arg10[%add3A_187], %add3A_190 : memref<16384xi32, #tpu.memory_space<vmem>>[vector<16xi32>], vector<16xi32>,
        }
        %scan3A_91 = arith.constant 128 : i32
        %dma_start3A_92 = arith.constant 0 : i32
        %dma_start3A_93 = tpu.memref_slice %arg3[%dma_start3A_92] : memref<134217728xf32, #tpu.memory_space<hbm>> -> memref<134217728xf32, #tpu.memory_space<hbm>>
        tpu.enqueue_indirect_dma source(%dma_start3A_93 : memref<134217728xf32, #tpu.memory_space<hbm>>) target(%arg12 : memref<16384xf32, #tpu.memory_space<vmem>>) offsets(%arg10 : memref<16384xi32, #tpu.memory_space<vmem>>) semaphore(%arg17 : memref<!tpu.dma_semaphore, #tpu.memory_space<semaphore_mem>>)
      } else {
      }
      %dma_wait3A_60 = arith.constant 0 : i32
      %dma_wait3A_61 = tpu.memref_slice %arg3[%dma_wait3A_60] : memref<134217728xf32, #tpu.memory_space<hbm>> -> memref<134217728xf32, #tpu.memory_space<hbm>>
      tpu.wait_indirect_dma semaphore(%arg18 : memref<!tpu.dma_semaphore, #tpu.memory_space<semaphore_mem>>) src(%dma_wait3A_61 : memref<134217728xf32, #tpu.memory_space<hbm>>) dst(%arg13 : memref<16384xf32, #tpu.memory_space<vmem>>)
      %mul3A_62 = arith.constant 2048 : i32
      %mul3A_63 = arith.muli %add3A_52, %mul3A_62 : i32
      %add3A_64 = arith.addi %mul3A_2, %mul3A_63 : i32
      %scan3A_65 = arith.constant 0 : i32
      %scan3A_66 = arith.constant 0 : i32
      %scan3A_67 = arith.constant 128 : i32
      %scan3A_68 = arith.addi %scan3A_66, %scan3A_67 : i32
      %scan3A_69 = arith.constant 1 : i32
      scf.for %scan3A_71 = %scan3A_66 to %scan3A_68 step %scan3A_69  : i32 {
        %mul3A_72 = arith.constant 16 : i32
        %mul3A_73 = arith.muli %scan3A_71, %mul3A_72 : i32
        %get3A = arith.index_cast %mul3A_73 : i32 to index
        %get3A_74 = tpu.vector_load %arg15[%get3A] {strides = array<i32>} : memref<6144xf32, #tpu.memory_space<vmem>>, vector<16xf32>,
        %add3A_75 = arith.constant 2048 : i32
        %add3A_76 = arith.addi %add3A_75, %mul3A_73 : i32
        %get3A_77 = arith.index_cast %add3A_76 : i32 to index
        %get3A_78 = tpu.vector_load %arg15[%get3A_77] {strides = array<i32>} : memref<6144xf32, #tpu.memory_space<vmem>>, vector<16xf32>,
        %add3A_79 = arith.constant 4096 : i32
        %add3A_80 = arith.addi %add3A_79, %mul3A_73 : i32
        %get3A_81 = arith.index_cast %add3A_80 : i32 to index
        %get3A_82 = tpu.vector_load %arg15[%get3A_81] {strides = array<i32>} : memref<6144xf32, #tpu.memory_space<vmem>>, vector<16xf32>,
        %add3A_83 = vector.broadcast %mul3A_73 : i32 to vector<16xi32>
        %add3A_84 = arith.addi %add3A_83, %iota3A : vector<16xi32>
        %mul3A_85 = arith.constant 8 : i32
        %mul3A_86 = vector.broadcast %mul3A_85 : i32 to vector<16xi32>
        %mul3A_87 = arith.muli %add3A_84, %mul3A_86 : vector<16xi32>
        %gather3A = tpu.vector_load_idx %arg13[%mul3A_87] : memref<16384xf32, #tpu.memory_space<vmem>>[vector<16xi32>], vector<16xf32>,
        %add3A_88 = arith.constant 1 : i32
        %add3A_89 = vector.broadcast %add3A_88 : i32 to vector<16xi32>
        %add3A_90 = arith.addi %mul3A_87, %add3A_89 : vector<16xi32>
        %gather3A_91 = tpu.vector_load_idx %arg13[%add3A_90] : memref<16384xf32, #tpu.memory_space<vmem>>[vector<16xi32>], vector<16xf32>,
        %add3A_92 = arith.constant 2 : i32
        %add3A_93 = vector.broadcast %add3A_92 : i32 to vector<16xi32>
        %add3A_94 = arith.addi %mul3A_87, %add3A_93 : vector<16xi32>
        %gather3A_95 = tpu.vector_load_idx %arg13[%add3A_94] : memref<16384xf32, #tpu.memory_space<vmem>>[vector<16xi32>], vector<16xf32>,
        %add3A_96 = arith.constant 3 : i32
        %add3A_97 = vector.broadcast %add3A_96 : i32 to vector<16xi32>
        %add3A_98 = arith.addi %mul3A_87, %add3A_97 : vector<16xi32>
        %gather3A_99 = tpu.vector_load_idx %arg13[%add3A_98] : memref<16384xf32, #tpu.memory_space<vmem>>[vector<16xi32>], vector<16xf32>,
        %add3A_100 = arith.constant 4 : i32
        %add3A_101 = vector.broadcast %add3A_100 : i32 to vector<16xi32>
        %add3A_102 = arith.addi %mul3A_87, %add3A_101 : vector<16xi32>
        %gather3A_103 = tpu.vector_load_idx %arg13[%add3A_102] : memref<16384xf32, #tpu.memory_space<vmem>>[vector<16xi32>], vector<16xf32>,
        %add3A_104 = arith.constant 5 : i32
        %add3A_105 = vector.broadcast %add3A_104 : i32 to vector<16xi32>
        %add3A_106 = arith.addi %mul3A_87, %add3A_105 : vector<16xi32>
        %gather3A_107 = tpu.vector_load_idx %arg13[%add3A_106] : memref<16384xf32, #tpu.memory_space<vmem>>[vector<16xi32>], vector<16xf32>,
        %add3A_108 = arith.constant 6 : i32
        %add3A_109 = vector.broadcast %add3A_108 : i32 to vector<16xi32>
        %add3A_110 = arith.addi %mul3A_87, %add3A_109 : vector<16xi32>
        %gather3A_111 = tpu.vector_load_idx %arg13[%add3A_110] : memref<16384xf32, #tpu.memory_space<vmem>>[vector<16xi32>], vector<16xf32>,
        %add3A_112 = arith.constant 7 : i32
        %add3A_113 = vector.broadcast %add3A_112 : i32 to vector<16xi32>
        %add3A_114 = arith.addi %mul3A_87, %add3A_113 : vector<16xi32>
        %gather3A_115 = tpu.vector_load_idx %arg13[%add3A_114] : memref<16384xf32, #tpu.memory_space<vmem>>[vector<16xi32>], vector<16xf32>,
        %sub3A = arith.subf %gather3A_91, %gather3A : vector<16xf32>
        %mul3A_116 = arith.mulf %get3A_82, %sub3A : vector<16xf32>
        %add3A_117 = arith.addf %gather3A, %mul3A_116 : vector<16xf32>
        %sub3A_118 = arith.subf %gather3A_99, %gather3A_95 : vector<16xf32>
        %mul3A_119 = arith.mulf %get3A_82, %sub3A_118 : vector<16xf32>
        %add3A_120 = arith.addf %gather3A_95, %mul3A_119 : vector<16xf32>
        %sub3A_121 = arith.subf %gather3A_107, %gather3A_103 : vector<16xf32>
        %mul3A_122 = arith.mulf %get3A_82, %sub3A_121 : vector<16xf32>
        %add3A_123 = arith.addf %gather3A_103, %mul3A_122 : vector<16xf32>
        %sub3A_124 = arith.subf %gather3A_115, %gather3A_111 : vector<16xf32>
        %mul3A_125 = arith.mulf %get3A_82, %sub3A_124 : vector<16xf32>
        %add3A_126 = arith.addf %gather3A_111, %mul3A_125 : vector<16xf32>
        %sub3A_127 = arith.subf %add3A_120, %add3A_117 : vector<16xf32>
        %mul3A_128 = arith.mulf %get3A_78, %sub3A_127 : vector<16xf32>
        %add3A_129 = arith.addf %add3A_117, %mul3A_128 : vector<16xf32>
        %sub3A_130 = arith.subf %add3A_126, %add3A_123 : vector<16xf32>
        %mul3A_131 = arith.mulf %get3A_78, %sub3A_130 : vector<16xf32>
        %add3A_132 = arith.addf %add3A_123, %mul3A_131 : vector<16xf32>
        %sub3A_133 = arith.subf %add3A_132, %add3A_129 : vector<16xf32>
        %mul3A_134 = arith.mulf %get3A_74, %sub3A_133 : vector<16xf32>
        %add3A_135 = arith.addf %add3A_129, %mul3A_134 : vector<16xf32>
        %swap3A = arith.index_cast %mul3A_73 : i32 to index
        %swap3A_136 = tpu.vector_load %arg16[%swap3A] {strides = array<i32>} : memref<2048xf32, #tpu.memory_space<vmem>>, vector<16xf32>,
        tpu.vector_store %arg16[%swap3A], %add3A_135 {strides = array<i32>} : memref<2048xf32, #tpu.memory_space<vmem>>, vector<16xf32>,
      }
      %scan3A_70 = arith.constant 128 : i32
      "tpu.region"() ({
        %run_scoped3A = tpu.sem_alloc : memref<!tpu.dma_semaphore, #tpu.memory_space<semaphore_mem>>
        %dma_start3A_71 = tpu.memref_slice %arg4[%add3A_64] : memref<2097152xf32, #tpu.memory_space<hbm>> -> memref<2048xf32, #tpu.memory_space<hbm>>
        %dma_start3A_72 = tpu.memref_slice %arg4[%add3A_64] : memref<2097152xf32, #tpu.memory_space<hbm>> -> memref<2048xf32, #tpu.memory_space<hbm>>
        tpu.enqueue_dma source(%arg16 : memref<2048xf32, #tpu.memory_space<vmem>>) target(%dma_start3A_72 : memref<2048xf32, #tpu.memory_space<hbm>>) target_semaphore(%run_scoped3A : memref<!tpu.dma_semaphore, #tpu.memory_space<semaphore_mem>>)
        %dma_wait3A_73 = tpu.memref_slice %arg4[%add3A_64] : memref<2097152xf32, #tpu.memory_space<hbm>> -> memref<2048xf32, #tpu.memory_space<hbm>>
        %dma_wait3A_74 = tpu.memref_slice %arg4[%add3A_64] : memref<2097152xf32, #tpu.memory_space<hbm>> -> memref<2048xf32, #tpu.memory_space<hbm>>
        tpu.wait_dma2 semaphore(%run_scoped3A : memref<!tpu.dma_semaphore, #tpu.memory_space<semaphore_mem>>) src(%arg16 : memref<2048xf32, #tpu.memory_space<vmem>>) dst(%dma_wait3A_74 : memref<2048xf32, #tpu.memory_space<hbm>>)
        tpu.yield
      }) : () -> ()
    }
    %scan3A_29 = arith.constant 16 : i32
    return
  }
}

</mosaic_0001>

<sc_bundles>
// kernel: kernel.3.cloned.1.call-start
scs
__scs_entry_jumppad:
0x0: {  	(pc) =	sbr.rel $0x88, $3  }
0x1: {  	(tag) =	ssettag $0x0;
	lr =	simm.s32 $0x1  }
0x2: {  	[smem:$0x3F9F] =	sst lr;
	_ =	strace $0xD0000000  }
0x3: {  	_ = 	snop  }
0x4: {  	_ = 	snop  }
0x5: {  	_ = 	snop  }
0x6: {  	_ = 	snop  }
0x7: {  	_ = 	snop  }
__scs_overlays_trampoline_lowered:
0x8: {  	[smem:$0x3FAE] =	sst s0  }
0x9: {  	[smem:$0x3FAF] =	sst s1  }
0xa: {  	[smem:$0x3FB0] =	sst s2  }
0xb: {  	[smem:$0x3FB1] =	sst s3  }
0xc: {  	[smem:$0x3FB2] =	sst s4  }
0xd: {  	[smem:$0x3FB3] =	sst s5  }
0xe: {  	[smem:$0x3FB4] =	sst s6  }
0xf: {  	[smem:$0x3FB5] =	sst s7  }
0x10: {  	[smem:$0x3FB6] =	sst s8  }
0x11: {  	[smem:$0x3FB7] =	sst s9;
	s0 =	simm.s32 @!p0 $0x0  }
0x12: {  	s1 =	sld [smem:$0x3F9D];
	s0 =	simm.s32 @p0 $0x1  }
0x13: {  	[smem:$0x3FB8] =	sst s0;
	s0 =	simm.s32 @!p1 $0x0  }
0x14: {  	s2 =	sld [smem:$0x3F9C];
	s0 =	simm.s32 @p1 $0x1  }
0x15: {  	[smem:$0x3FB9] =	sst s0;
	s0 =	simm.s32 @!p2 $0x0  }
0x16: {  	s3 =	sld [smem:$0x3FDB];
	s0 =	simm.s32 @p2 $0x1  }
0x17: {  	s4 =	simm.s32 $0x1BF5;
	[smem:$0x3FBB] =	sst s0  }
0x18: {  	s0 =	sld [smem:$0x3F9E];
	_ =	swait.ge [sflag:s4], $0x0  }
0x19: {  	s7 =	sld [smem:$0x3F9F]  }
0x1a: {  	s8 =	sadd.s32 $0xFFFFE003, lr  }
0x1b: {  	s9 =	sadd.s32 $0xFFFFFEF7, lr;
	s5 =	simm.s32 $0xFFFFFFFF;
	p2 =	slt.u32 s8, $0xFFFFF086  }
0x1c: {  	p1 =	slt.u32 s9, $0xF7A;
	s5 =	simm.s32 @!p2 $0x0  }
0x1d: {  	s5 =	simm.s32 @p1 $0x1;
	p0 =	seq.s32 s7, s2  }
0x1e: {  	s7 =	smul.u32 @!p0 $0xF7A, s2;
	p2 =	seq.s32 @!p0 s5, $0x0  }
0x1f: {  	s9 =	smul.u32 $0xF7A, s1;
	s8 =	simm.s32 @!p0 $0x1BF5;
	p2 =	por !p2, p0  }
0x20: {  	[sflag:s8] =	ssyncset.s32 @!p0 $0xFFFFF086;
	s6 =	sadd.s32 @!p0 s3, s7;
	s7 =	simm.s32 @!p0 $0x108  }
0x21: {  	s3 =	sadd.s32 s3, s9;
	s6 =	sadd.s32 @!p0 $0x88, s6;
	s7 =	simm.s32 @p2 $0x1082  }
0x22: {  	[simem:s7], [sflag:s8] =	dma.local @!p0 [hbm:s6], $0xF7A  }
0x23: {  	s9 =	sor.u32 $0xD0000000, s2;
	s6 =	simm.s32 $0x108;
	_ =	swait.ge @!p0 [sflag:s8], $0x0  }
0x24: {  	s3 =	sadd.s32 $0x88, s3;
	s6 =	simm.s32 @!p1 $0x1082;
	[sflag:s4] =	ssyncset.s32 $0xFFFFF086  }
0x25: {  	[simem:s6], [sflag:s4] =	dma.local [hbm:s3], $0xF7A  }
0x26: {  	[smem:$0x3F9F] =	sst s1;
	(tag) =	ssettag s2;
	_ =	strace s9  }
0x27: {  	s1 =	sld [smem:$0x3FAF]  }
0x28: {  	s2 =	sld [smem:$0x3FB0]  }
0x29: {  	s4 =	sld [smem:$0x3FB2]  }
0x2a: {  	p0 =	seq.s32 s5, $0x0;
	s5 =	sld [smem:$0x3FB3]  }
0x2b: {  	s6 =	sld [smem:$0x3FB4]  }
0x2c: {  	s7 =	sld [smem:$0x3FB5]  }
0x2d: {  	s3 =	simm.s32 $0x108;
	s8 =	sld [smem:$0x3FB6]  }
0x2e: {  	s3 =	simm.s32 @!p0 $0x1082;
	s9 =	sld [smem:$0x3FB7]  }
0x2f: {  	lr =	sadd.s32 s0, s3;
	s0 =	sld [smem:$0x3FAE]  }
0x30: {  	s3 =	sld [smem:$0x3FB1]  }
0x31: {  	[smem:$0x3FBA] =	sst s10  }
0x32: {  	s10 =	sld [smem:$0x3FB8];
	_ =	sdelay $0x3  }
0x33: {  	p0 =	seq.s32 s10, $0x1;
	s10 =	sld [smem:$0x3FBA];
	_ =	sdelay $0x3  }
0x34: {  	[smem:$0x3FBA] =	sst s10  }
0x35: {  	s10 =	sld [smem:$0x3FB9];
	_ =	sdelay $0x3  }
0x36: {  	p1 =	seq.s32 s10, $0x1;
	s10 =	sld [smem:$0x3FBA];
	_ =	sdelay $0x3  }
0x37: {  	[smem:$0x3FBA] =	sst s10  }
0x38: {  	s10 =	sld [smem:$0x3FBB]  }
0x39: {  	_ = 	snop;
	(pc) =	sbr.ind lr, $3  }
0x3a: {  	_ = 	snop  }
0x3b: {  	_ = 	snop  }
0x3c: {  	p2 =	seq.s32 s10, $0x1;
	s10 =	sld [smem:$0x3FBA]  }
0x3d: {  	_ =	shalt  }
0x3e: {  	_ =	shalt  }
0x3f: {  	_ =	shalt  }
0x40: {  	_ =	shalt  }
0x41: {  	_ =	shalt  }
0x42: {  	_ =	shalt  }
0x43: {  	_ =	shalt  }
0x44: {  	_ =	shalt  }
0x45: {  	_ =	shalt  }
0x46: {  	_ =	shalt  }
0x47: {  	_ =	shalt  }
0x48: {  	_ =	shalt  }
0x49: {  	_ =	shalt  }
0x4a: {  	_ =	shalt  }
0x4b: {  	_ =	shalt  }
0x4c: {  	_ =	shalt  }
0x4d: {  	_ =	shalt  }
0x4e: {  	_ =	shalt  }
0x4f: {  	_ =	shalt  }
0x50: {  	_ =	shalt  }
0x51: {  	_ =	shalt  }
0x52: {  	_ =	shalt  }
0x53: {  	_ =	shalt  }
0x54: {  	_ =	shalt  }
0x55: {  	_ =	shalt  }
0x56: {  	_ =	shalt  }
0x57: {  	_ =	shalt  }
0x58: {  	_ =	shalt  }
0x59: {  	_ =	shalt  }
0x5a: {  	_ =	shalt  }
0x5b: {  	_ =	shalt  }
0x5c: {  	_ =	shalt  }
0x5d: {  	_ =	shalt  }
0x5e: {  	_ =	shalt  }
0x5f: {  	_ =	shalt  }
0x60: {  	_ =	shalt  }
0x61: {  	_ =	shalt  }
0x62: {  	_ =	shalt  }
0x63: {  	_ =	shalt  }
0x64: {  	_ =	shalt  }
0x65: {  	_ =	shalt  }
0x66: {  	_ =	shalt  }
0x67: {  	_ =	shalt  }
0x68: {  	_ =	shalt  }
0x69: {  	_ =	shalt  }
0x6a: {  	_ =	shalt  }
0x6b: {  	_ =	shalt  }
0x6c: {  	_ =	shalt  }
0x6d: {  	_ =	shalt  }
0x6e: {  	_ =	shalt  }
0x6f: {  	_ =	shalt  }
0x70: {  	_ =	shalt  }
0x71: {  	_ =	shalt  }
0x72: {  	_ =	shalt  }
0x73: {  	_ =	shalt  }
0x74: {  	_ =	shalt  }
0x75: {  	_ =	shalt  }
0x76: {  	_ =	shalt  }
0x77: {  	_ =	shalt  }
0x78: {  	_ =	shalt  }
0x79: {  	_ =	shalt  }
0x7a: {  	_ =	shalt  }
0x7b: {  	_ =	shalt  }
0x7c: {  	_ =	shalt  }
0x7d: {  	_ =	shalt  }
0x7e: {  	_ =	shalt  }
0x7f: {  	_ =	shalt  }
0x80: {  	_ =	shalt  }
0x81: {  	_ =	shalt  }
0x82: {  	_ =	shalt  }
0x83: {  	_ =	shalt  }
0x84: {  	_ =	shalt  }
0x85: {  	_ =	shalt  }
0x86: {  	_ =	shalt  }
0x87: {  	_ =	shalt  }
.Lfunc_end0:
.L_simem_size_0:
called_computation.1_lowered:
.L_overlay_start_0:
0x88: {  	s2 =	sld [smem:$0x3FD9]  }
0x89: {  	s3 =	sld [smem:$0x3FFE];
	_ =	sdelay $0x1  }
0x8a: {  	s1 =	srdreg.scid  }
0x8b: {  	s0 =	sand.u32 $0x1, s1  }
0x8c: {  	s17 =	sshll.u32 s0, $0xA;
	s2 =	sadd.s32 s3, s2  }
0x8d: {  	s2 =	sadd.s32 s2, s17  }
0x8e: {  	[smem:$0x3FC6] =	sst s2  }
0x8f: {  	_ = 	snop  }
0x90: {  	s2 =	sld [smem:$0x3FD0];
	(tm) =	ssettm $0x1  }
0x91: {  	s18 =	sld [smem:$0x3FFB];
	_ =	sdelay $0x3  }
0x92: {  	_ =	strace s18  }
0x93: {  	s3 =	sld [smem:$0x3FFC];
	_ =	sdelay $0x3  }
0x94: {  	_ =	strace s3  }
0x95: {  	s3 =	sld [smem:$0x3FFD];
	_ =	sdelay $0x3  }
0x96: {  	_ =	strace s3  }
0x97: {  	_ =	strace $0x8FFFFFFF  }
0x98: {  	s19 =	sld [smem:$0x3FDB];
	_ =	sdelay $0x1  }
0x99: {  	s4 =	simm.s32 $_scs_section_size  }
0x9a: {  	s5 =	simm.s32 $_size__tile_overlayer_lowered;
	s6 =	simm.s32 $_tile_overlayer_lowered  }
0x9b: {  	s22 =	simm.s32 $0x1BFF;
	s21 =	sshll.u32 s6, $0x1;
	s3 =	sadd.s32 s4, s19  }
0x9c: {  	s7 =	simm.s32 $0x0;
	s20 =	sshll.u32 s5, $0x1;
	s5 =	sadd.s32 s21, s3  }
0x9d: {  	[timem:s7], [sflag:s22] =	dma.local [hbm:s5], s20  }
0x9e: {  	_ =	swait.ge [sflag:s22], s20  }
0x9f: {  	s4 =	ssub.s32 $0x0, s20;
	[sflag:s22] =	ssyncset.done $0x0  }
0xa0: {  	[sflag:s22] =	ssyncadd.s32 s4;
	_ =	sdelay $0x1  }
0xa1: {  	s23 =	simm.s32 $0x1B8B  }
0xa2: {  	_ =	swait.ge [sflag:s23], $0x1  }
0xa3: {  	[sflag:s23] =	ssyncset.done $0x0  }
0xa4: {  	s25 =	simm.s32 $0x1B8E;
	s24 =	sld [smem:$0x3FFE];
	[sflag:s23] =	ssyncadd.s32 $0xFFFFFFFF  }
0xa5: {  	s26 =	simm.s32 $execute0_lowered;
	[smem:$0x3FD2] =	sst s25  }
0xa6: {  	s5 =	sshll.u32 s26, $0x1;
	_ =	strace $0x80000049;
	[dreg:$0x1] =	wrdreg $0xFFFFFFFF  }
0xa7: {  	s28 =	simm.s32 $_size_execute0_lowered;
	s3 =	sadd.s32 s3, s5;
	[dreg:$0x0] =	wrdreg $0x0  }
0xa8: {  	s5 =	sshll.u32 s28, $0x1;
	[dreg:$0x2] =	wrdreg s3  }
0xa9: {  	[dreg:$0x3] =	wrdreg s5  }
0xaa: {  	[dreg:$0x4] =	wrdreg $0xC0  }
0xab: {  	_ =	task [dreg:s7], $0x5FFFF  }
0xac: {  	[dreg:$0x1] =	wrdreg $0xFFFFFFFF  }
0xad: {  	[dreg:$0x0] =	wrdreg $0x60  }
0xae: {  	[dreg:$0x2] =	wrdreg s24  }
0xaf: {  	[dreg:$0x3] =	wrdreg s2  }
0xb0: {  	[dreg:$0x4] =	wrdreg $0x9  }
0xb1: {  	_ =	task.clear_ibuf [dreg:s7], $0x5FFFF;
	_ =	strace $0x90000049  }
0xb2: {  	s29 =	simm.s32 $0x9;
	_ =	strace $0x8000004B  }
0xb3: {  	_ =	swait.ge [sflag:s29], $0x1  }
0xb4: {  	[sflag:s29] =	ssyncadd.s32 $0xFFFFFFFF  }
0xb5: {  	_ =	strace $0x9000004B  }
0xb6: {  	_ =	sfence  }
0xb7: {  	s30 =	sld [smem:$0x0];
	_ =	sdelay $0x2  }
0xb8: {  	s31 =	sshll.u32 s1, $0xD;
	s1 =	sshrl.u32 s1, $0x2  }
0xb9: {  	s3 =	sand.u32 $0x4000, s31;
	s1 =	sadd.s32 s1, s30  }
0xba: {  	s0 =	sor.u32 s3, s0;
	s1 =	sshll.u32 s1, $0x11  }
0xbb: {  	s0 =	sor.u32 s1, s0  }
0xbc: {  	s0 =	sadd.s32 $0x8F2B, s0  }
0xbd: {  	[sflag:s0] =	ssyncadd.remote.s32 $0x1  }
0xbe: {  	_ =	sfence.sel $0xFFFF  }
0xbf: {  	[dreg:$0x0] =	wrdreg $0xFFFFFFFF;
	(pc) =	sbr.abs _section_cstart, $3  }
0xc0: {  	[dreg:$0x1] =	wrdreg $0xFFFFFFFF  }
0xc1: {  	_ =	task.clear_ibuf [dreg:s7], $0x2FFFF;
	_ =	strace $0x9FFFFFFF  }
0xc2: {  	(tm) =	ssettm $0x7FFFFFFF  }
0xc3: {  	_ =	shalt  }
tec
execute0_lowered:
.L_overlay_start_1:
0x0: {  	(tag) =	ssettag $0x1  }
0x1: {  	s0 =	rddreg [dreg:$0x0];
	s3 =	simm.s32 $0x0  }
0x2: {  	s1 =	srdreg.scid;
	s2 =	stileid.u32;
	s13 =	simm.s32 $0x4000  }
0x3: {  	s14 =	simm.s32 $0x3;
	s15 =	simm.s32 $0x4;
	s16 =	simm.s32 $0x9800  }
0x4: {  	s17 =	simm.s32 $0x11800;
	s18 =	simm.s32 $0xD800;
	s19 =	simm.s32 $0x15800  }
0x5: {  	s20 =	simm.s32 $0x1;
	s22 =	simm.s32 $0x5;
	[smem:$0x7FF] =	sst s3  }
0x6: {  	s1 =	sand.u32 $0x1, s1;
	s4 =	sadd.s32 $0x1000800, s0;
	s2 =	sshll.u32 s2, $0x11  }
0x7: {  	s5 =	sadd.s32 $0x800, s0;
	s7 =	sadd.s32 $0x1001800, s0;
	s6 =	sshll.u32 s1, $0x10  }
0x8: {  	_ =	strace $0x8000004A;
	s1 =	ssub.s32 $0x2, s1;
	s9 =	sor.u32 s6, s2  }
0x9: {  	s28 =	sshrl.u32 s1, $0x1;
	s30 =	sor.u32 $0x800, s9;
	[dreg:$0x3] =	wrdreg s9  }
0xa: {  	s29 =	ssub.s32 s1, s28;
	s31 =	sor.u32 $0x1000, s9;
	[dreg:$0x5] =	wrdreg s30  }
0xb: {  	s6 =	sshll.u32 s9, $0x4;
	[dreg:$0x6] =	wrdreg s31;
	s0 =	smax.u32 s29, $0x1  }
0xc: {  	v1 =	vlaneseq.u32;
	s23 =	simm.s32 $0x2;
	s10 =	sadd.s32 s6, s7;
	[dreg:$0x7] =	wrdreg s0  }
0xd: {  	v0 =	vmul.u32 $0x80, v1;
	v1 =	vmul.u32 $0x8, v1;
	s1 =	simm.s32 $0x0;
	s8 =	sadd.s32 s4, s6;
	[dreg:$0x4] =	wrdreg s10  }
.LBB2_1:
0xe: {  	[tilespmem:s3], [sflag:$0x3] =	stream.linear.gather [hbm4b:s8+s3], $0x4000, $0x38;
	[tilespmem:$0x1D000] =	vst v63  }
0xf: {  	[dreg:$0x8] =	wrdreg s1;
	s25 =	simm.s32 $0x9000  }
0x10: {  	s0 =	simm.s32 $0x8800;
	s2 =	simm.s32 $0x8000;
	s12 =	simm.s32 $0x9080  }
0x11: {  	s24 =	simm.s32 $0x8880;
	s11 =	simm.s32 $0x8080;
	s26 =	simm.s32 $0x0  }
.LBB2_2:
0x12: {  	s1 =	simm.s32 $0x0  }
0x13: {  	s6 =	sshll.u32 s26, $0xC;
	v2 =	vmov s1  }
0x14: {  	s6 =	sadd.s32 s6, s8;
	v2 =	vshll.u32 v2, $0x7  }
0x15: {  	s6 =	sadd.s32 $0x800, s6;
	v2 =	vor.u32 v0, v2  }
0x16: {  	[tilespmem:s13], [sflag:$0x4] =	stream.linear.gather [hbm4b:s6+s1], $0x4000, $0x38;
	[tilespmem:$0x1D000] =	vst v63  }
0x17: {  	_ =	swait.ge [sflag:s14], $0x4000  }
0x18: {  	[sflag:s14] =	ssyncset.done $0x0  }
0x19: {  	[sflag:s14] =	ssyncadd.s32 $0xFFFFC000  }
0x1a: {  	v3 =	vld.idx.msk [tilespmem:v2+s3+$0x0], $0xffff  }
0x1b: {  	v4 =	vor.u32 $0x1, v2;
	_ =	sdelay $0x3  }
0x1c: {  	[tilespmem:s2+$0x0] =	vst v3  }
0x1d: {  	v3 =	vld.idx.msk [tilespmem:v4+s3+$0x0], $0xffff  }
0x1e: {  	v2 =	vor.u32 $0x2, v2;
	_ =	sdelay $0x2  }
0x1f: {  	s30 =	simm.s32 $0x10  }
0x20: {  	[tilespmem:s0+$0x0] =	vst v3;
	v3 =	vmov s30  }
0x21: {  	v2 =	vld.idx.msk [tilespmem:v2+s3+$0x0], $0xffff;
	v3 =	vshll.u32 v3, $0x7  }
0x22: {  	v3 =	vor.u32 v0, v3;
	_ =	sdelay $0x3  }
0x23: {  	[tilespmem:s25+$0x0] =	vst v2  }
0x24: {  	v2 =	vld.idx.msk [tilespmem:v3+s3+$0x0], $0xffff  }
0x25: {  	v4 =	vor.u32 $0x1, v3;
	_ =	sdelay $0x2  }
0x26: {  	s1 =	sadd.s32 $0x10, s2  }
0x27: {  	[tilespmem:s1+$0x0] =	vst v2  }
0x28: {  	v2 =	vld.idx.msk [tilespmem:v4+s3+$0x0], $0xffff  }
0x29: {  	v4 =	vor.u32 $0x2, v3;
	_ =	sdelay $0x2  }
0x2a: {  	s28 =	sadd.s32 $0x10, s0  }
0x2b: {  	s31 =	simm.s32 $0x20;
	[tilespmem:s28+$0x0] =	vst v2  }
0x2c: {  	s9 =	simm.s32 $0x30;
	s6 =	smov.u32 s25;
	v3 =	vmov s31;
	v2 =	vld.idx.msk [tilespmem:v4+s3+$0x0], $0xffff  }
.LBB2_3:
0x2d: {  	p0 =	sne.s32 s9, $0x70;
	v3 =	vshll.u32 v3, $0x7  }
0x2e: {  	v3 =	vor.u32 v0, v3;
	_ =	sdelay $0x2  }
0x2f: {  	s6 =	sadd.s32 $0x10, s6  }
0x30: {  	[tilespmem:s6+$0x0] =	vst v2  }
0x31: {  	v2 =	vld.idx.msk [tilespmem:v3+s3+$0x0], $0xffff;
	_ =	sdelay $0x1  }
0x32: {  	v4 =	vor.u32 $0x1, v3;
	_ =	sdelay $0x2  }
0x33: {  	s1 =	sadd.s32 $0x10, s1  }
0x34: {  	[tilespmem:s1+$0x0] =	vst v2  }
0x35: {  	v2 =	vld.idx.msk [tilespmem:v4+s3+$0x0], $0xffff;
	_ =	sdelay $0x1  }
0x36: {  	v4 =	vor.u32 $0x2, v3  }
.Ltmp0:
0x37: {  	(pc) =	sbr.rel @p0 .LBB2_3-.Ltmp0, $4  }
0x38: {  	_ = 	snop  }
0x39: {  	s28 =	sadd.s32 $0x10, s28  }
0x3a: {  	[tilespmem:s28+$0x0] =	vst v2  }
0x3b: {  	v3 =	vmov s9;
	s9 =	sadd.s32 $0x10, s9;
	v2 =	vld.idx.msk [tilespmem:v4+s3+$0x0], $0xffff  }
0x3c: {  	v3 =	vshll.u32 v3, $0x7  }
0x3d: {  	v3 =	vor.u32 v0, v3;
	_ =	sdelay $0x2  }
0x3e: {  	s6 =	sadd.s32 $0x10, s6  }
0x3f: {  	[tilespmem:s6+$0x0] =	vst v2  }
0x40: {  	v2 =	vld.idx.msk [tilespmem:v3+s3+$0x0], $0xffff  }
0x41: {  	v4 =	vor.u32 $0x1, v3;
	_ =	sdelay $0x2  }
0x42: {  	s1 =	sadd.s32 $0x10, s1  }
0x43: {  	[tilespmem:s1+$0x0] =	vst v2  }
0x44: {  	v2 =	vld.idx.msk [tilespmem:v4+s3+$0x0], $0xffff  }
0x45: {  	v3 =	vor.u32 $0x2, v3;
	_ =	sdelay $0x2  }
0x46: {  	s9 =	sadd.s32 $0x10, s28  }
0x47: {  	[tilespmem:s9+$0x0] =	vst v2  }
0x48: {  	v2 =	vld.idx.msk [tilespmem:v3+s3+$0x0], $0xffff;
	_ =	sdelay $0x1  }
0x49: {  	s21 =	simm.s32 $0x0  }
0x4a: {  	p0 =	seq.s32 s26, $0x7;
	v3 =	vmov s21  }
0x4b: {  	s29 =	sadd.s32 $0x10, s6;
	s6 =	sshll.u32 @!p0 s26, $0xC;
	v3 =	vshll.u32 v3, $0x7  }
0x4c: {  	s1 =	sadd.s32 @!p0 s6, s10;
	s6 =	simm.s32 @!p0 $0x0;
	[tilespmem:s29+$0x0] =	vst v2;
	v2 =	vor.u32 v0, v3  }
0x4d: {  	[tilespmem:s6], [sflag:$0x3] =	stream.linear.gather @!p0 [hbm4b:s1+s6], $0x4000, $0x38;
	[tilespmem:$0x1D000] =	vst v63  }
0x4e: {  	_ =	swait.ge [sflag:s15], $0x4000  }
0x4f: {  	[sflag:s15] =	ssyncset.done $0x0  }
0x50: {  	[sflag:s15] =	ssyncadd.s32 $0xFFFFC000  }
0x51: {  	v3 =	vld.idx.msk [tilespmem:v2+s13+$0x0], $0xffff  }
0x52: {  	v4 =	vor.u32 $0x1, v2;
	_ =	sdelay $0x3  }
0x53: {  	[tilespmem:s11+$0x0] =	vst v3  }
0x54: {  	v3 =	vld.idx.msk [tilespmem:v4+s13+$0x0], $0xffff  }
0x55: {  	v2 =	vor.u32 $0x2, v2;
	_ =	sdelay $0x2  }
0x56: {  	s30 =	simm.s32 $0x10  }
0x57: {  	[tilespmem:s24+$0x0] =	vst v3;
	v3 =	vmov s30  }
0x58: {  	v2 =	vld.idx.msk [tilespmem:v2+s13+$0x0], $0xffff;
	v3 =	vshll.u32 v3, $0x7  }
0x59: {  	v3 =	vor.u32 v0, v3;
	_ =	sdelay $0x3  }
0x5a: {  	[tilespmem:s12+$0x0] =	vst v2  }
0x5b: {  	v2 =	vld.idx.msk [tilespmem:v3+s13+$0x0], $0xffff  }
0x5c: {  	v4 =	vor.u32 $0x1, v3;
	_ =	sdelay $0x2  }
0x5d: {  	s1 =	sadd.s32 $0x10, s11  }
0x5e: {  	[tilespmem:s1+$0x0] =	vst v2  }
0x5f: {  	v2 =	vld.idx.msk [tilespmem:v4+s13+$0x0], $0xffff  }
0x60: {  	v4 =	vor.u32 $0x2, v3;
	_ =	sdelay $0x2  }
0x61: {  	s28 =	sadd.s32 $0x10, s24  }
0x62: {  	s31 =	simm.s32 $0x20;
	[tilespmem:s28+$0x0] =	vst v2  }
0x63: {  	s9 =	simm.s32 $0x30;
	s6 =	smov.u32 s12;
	v3 =	vmov s31;
	v2 =	vld.idx.msk [tilespmem:v4+s13+$0x0], $0xffff  }
.LBB2_5:
0x64: {  	p0 =	sne.s32 s9, $0x70;
	v3 =	vshll.u32 v3, $0x7  }
0x65: {  	v3 =	vor.u32 v0, v3;
	_ =	sdelay $0x2  }
0x66: {  	s6 =	sadd.s32 $0x10, s6  }
0x67: {  	[tilespmem:s6+$0x0] =	vst v2  }
0x68: {  	v2 =	vld.idx.msk [tilespmem:v3+s13+$0x0], $0xffff;
	_ =	sdelay $0x1  }
0x69: {  	v4 =	vor.u32 $0x1, v3;
	_ =	sdelay $0x2  }
0x6a: {  	s1 =	sadd.s32 $0x10, s1  }
0x6b: {  	[tilespmem:s1+$0x0] =	vst v2  }
0x6c: {  	v2 =	vld.idx.msk [tilespmem:v4+s13+$0x0], $0xffff;
	_ =	sdelay $0x1  }
0x6d: {  	v4 =	vor.u32 $0x2, v3  }
.Ltmp1:
0x6e: {  	(pc) =	sbr.rel @p0 .LBB2_5-.Ltmp1, $4  }
0x6f: {  	_ = 	snop  }
0x70: {  	s28 =	sadd.s32 $0x10, s28  }
0x71: {  	[tilespmem:s28+$0x0] =	vst v2  }
0x72: {  	v3 =	vmov s9;
	s9 =	sadd.s32 $0x10, s9;
	v2 =	vld.idx.msk [tilespmem:v4+s13+$0x0], $0xffff  }
0x73: {  	v3 =	vshll.u32 v3, $0x7  }
0x74: {  	v3 =	vor.u32 v0, v3;
	_ =	sdelay $0x2  }
0x75: {  	s6 =	sadd.s32 $0x10, s6  }
0x76: {  	[tilespmem:s6+$0x0] =	vst v2  }
0x77: {  	v2 =	vld.idx.msk [tilespmem:v3+s13+$0x0], $0xffff  }
0x78: {  	v4 =	vor.u32 $0x1, v3;
	_ =	sdelay $0x2  }
0x79: {  	s1 =	sadd.s32 $0x10, s1  }
0x7a: {  	[tilespmem:s1+$0x0] =	vst v2  }
0x7b: {  	v2 =	vld.idx.msk [tilespmem:v4+s13+$0x0], $0xffff  }
0x7c: {  	v3 =	vor.u32 $0x2, v3;
	_ =	sdelay $0x2  }
0x7d: {  	s30 =	sadd.s32 $0x10, s28  }
0x7e: {  	s26 =	sadd.s32 $0x1, s26;
	[tilespmem:s30+$0x0] =	vst v2  }
0x7f: {  	p0 =	sne.s32 s26, $0x8;
	v2 =	vld.idx.msk [tilespmem:v3+s13+$0x0], $0xffff  }
.Ltmp2:
0x80: {  	_ = 	snop;
	(pc) =	sbr.rel @p0 .LBB2_2-.Ltmp2, $4  }
0x81: {  	_ = 	snop  }
0x82: {  	s25 =	sadd.s32 $0x100, s25  }
0x83: {  	s0 =	sadd.s32 $0x100, s0;
	s2 =	sadd.s32 $0x100, s2;
	s31 =	sadd.s32 $0x10, s6  }
0x84: {  	s12 =	sadd.s32 $0x100, s12;
	s24 =	sadd.s32 $0x100, s24;
	s11 =	sadd.s32 $0x100, s11;
	[tilespmem:s31+$0x0] =	vst v2  }
0x85: {  	s1 =	simm.s32 $0x8000  }
0x86: {  	s2 =	simm.s32 $0x8800;
	v3 =	vld [tilespmem:s1+$0x0]  }
0x87: {  	s0 =	simm.s32 $0x9000;
	v4 =	vld [tilespmem:s2+$0x0]  }
0x88: {  	v2 =	vld [tilespmem:s0+$0x0];
	_ =	sdelay $0x2  }
0x89: {  	v3 =	vmul.f32 $5.110000000e+02, v3  }
0x8a: {  	v4 =	vmul.f32 $5.110000000e+02, v4  }
0x8b: {  	v2 =	vmul.f32 $5.110000000e+02, v2;
	v6 =	vtrunc.f32 v3  }
0x8c: {  	v7 =	vtrunc.f32 v4;
	v6 =	vcvt.f32.s32 v6  }
0x8d: {  	v5 =	vtrunc.f32 v2;
	v7 =	vcvt.f32.s32 v7  }
0x8e: {  	s6 =	simm.s32 $0x0;
	v5 =	vcvt.f32.s32 v5;
	vm0 =	vlt.s32 v6, $0x1FE  }
0x8f: {  	v8 =	vmov s6;
	vm15 =	vlt.s32 v7, $0x1FE;
	v6 =	vnsel vm0, $0x1FE, v6  }
0x90: {  	vm1 =	vlt.s32 v5, $0x1FE;
	v7 =	vnsel vm15, $0x1FE, v7;
	v9 =	vcvt.s32.f32 v6  }
0x91: {  	v8 =	vshll.u32 v8, $0x3;
	v5 =	vnsel vm1, $0x1FE, v5;
	v10 =	vcvt.s32.f32 v7  }
0x92: {  	v8 =	vor.u32 v1, v8;
	v11 =	vcvt.s32.f32 v5;
	v3 =	vsub.f32 v3, v9  }
0x93: {  	s9 =	simm.s32 $0x19800;
	v63 =	vor.u32 $0x1, v8;
	v6 =	vshll.u32 v6, $0x12;
	v4 =	vsub.f32 v4, v10  }
0x94: {  	s6 =	sand.u32 $0x7F0, s6;
	v7 =	vshll.u32 v7, $0x9;
	v2 =	vsub.f32 v2, v11;
	[tilespmem:s9+$0x0] =	vst v3;
	v3 =	vor.u32 $0x2, v8  }
0x95: {  	v6 =	vadd.s32 v6, v7;
	[tilespmem:s6+$0x1A000] =	vst v4;
	v4 =	vor.u32 $0x3, v8  }
0x96: {  	v5 =	vadd.s32 v5, v6;
	v6 =	vor.u32 $0x4, v8;
	[tilespmem:s6+$0x1A800] =	vst v2  }
0x97: {  	v2 =	vadd.s32 $0x1, v5;
	[tilespmem:v8+s16+$0x0] =	vst.idx.msk $0xffff, v5  }
0x98: {  	[tilespmem:v63+s16+$0x0] =	vst.idx.msk $0xffff, v2;
	v2 =	vadd.s32 $0x200, v5  }
0x99: {  	v7 =	vor.u32 $0x5, v8;
	[tilespmem:v3+s16+$0x0] =	vst.idx.msk $0xffff, v2;
	v2 =	vadd.s32 $0x201, v5  }
0x9a: {  	v3 =	vadd.s32 $0x40000, v5;
	[tilespmem:v4+s16+$0x0] =	vst.idx.msk $0xffff, v2;
	v4 =	vor.u32 $0x6, v8  }
0x9b: {  	[tilespmem:v6+s16+$0x0] =	vst.idx.msk $0xffff, v3;
	v3 =	vor.u32 $0x7, v8;
	_ =	sdelay $0x1  }
0x9c: {  	v6 =	vadd.s32 $0x40001, v5  }
0x9d: {  	s11 =	simm.s32 $0x10;
	s12 =	simm.s32 $0x19810;
	v2 =	vadd.s32 $0x40201, v5;
	v5 =	vadd.s32 $0x40200, v5;
	[tilespmem:v7+s16+$0x0] =	vst.idx.msk $0xffff, v6  }
.LBB2_8:
0x9e: {  	[tilespmem:v4+s16+$0x0] =	vst.idx.msk $0xffff, v5;
	s1 =	sadd.s32 $0x10, s1;
	s2 =	sadd.s32 $0x10, s2;
	s0 =	sadd.s32 $0x10, s0  }
0x9f: {  	p0 =	sne.s32 s11, $0x7F0;
	s6 =	smov.u32 s11;
	s11 =	sadd.s32 $0x10, s11;
	[tilespmem:v3+s16+$0x0] =	vst.idx.msk $0xffff, v2  }
0xa0: {  	v2 =	vld [tilespmem:s0+$0x0]  }
0xa1: {  	v3 =	vld [tilespmem:s1+$0x0]  }
0xa2: {  	v4 =	vld [tilespmem:s2+$0x0];
	_ =	sdelay $0x2  }
0xa3: {  	v2 =	vmul.f32 $5.110000000e+02, v2  }
0xa4: {  	v3 =	vmul.f32 $5.110000000e+02, v3  }
0xa5: {  	v4 =	vmul.f32 $5.110000000e+02, v4;
	v5 =	vtrunc.f32 v2  }
0xa6: {  	v6 =	vtrunc.f32 v3;
	v5 =	vcvt.f32.s32 v5  }
0xa7: {  	v6 =	vcvt.f32.s32 v6;
	v7 =	vtrunc.f32 v4  }
0xa8: {  	v7 =	vcvt.f32.s32 v7;
	vm0 =	vlt.s32 v5, $0x1FE  }
0xa9: {  	v8 =	vmov s6;
	vm1 =	vlt.s32 v6, $0x1FE;
	v5 =	vnsel vm0, $0x1FE, v5  }
0xaa: {  	v6 =	vnsel vm1, $0x1FE, v6;
	vm0 =	vlt.s32 v7, $0x1FE;
	v9 =	vcvt.s32.f32 v5  }
0xab: {  	v8 =	vshll.u32 v8, $0x3;
	v7 =	vnsel vm0, $0x1FE, v7;
	v10 =	vcvt.s32.f32 v6  }
0xac: {  	v6 =	vshll.u32 v6, $0x12;
	v11 =	vcvt.s32.f32 v7;
	v7 =	vshll.u32 v7, $0x9  }
0xad: {  	v3 =	vsub.f32 v3, v10;
	v6 =	vadd.s32 v6, v7;
	v7 =	vor.u32 v1, v8  }
0xae: {  	v8 =	vsub.f32 v2, v9;
	v4 =	vsub.f32 v4, v11;
	v9 =	vor.u32 $0x1, v7  }
0xaf: {  	s6 =	sand.u32 $0x7F0, s6;
	v5 =	vadd.s32 v5, v6;
	[tilespmem:s12+$0x0] =	vst v3;
	v3 =	vor.u32 $0x2, v7  }
0xb0: {  	v6 =	vor.u32 $0x3, v7;
	v2 =	vadd.s32 $0x40201, v5;
	[tilespmem:s6+$0x1A000] =	vst v4  }
0xb1: {  	[tilespmem:s6+$0x1A800] =	vst v8;
	v8 =	vor.u32 $0x4, v7  }
0xb2: {  	v10 =	vor.u32 $0x5, v7;
	v4 =	vadd.s32 $0x1, v5;
	[tilespmem:v7+s16+$0x0] =	vst.idx.msk $0xffff, v5  }
.Ltmp3:
0xb3: {  	[tilespmem:v9+s16+$0x0] =	vst.idx.msk $0xffff, v4;
	v9 =	vadd.s32 $0x200, v5;
	v4 =	vor.u32 $0x6, v7;
	(pc) =	sbr.rel @p0 .LBB2_8-.Ltmp3, $4  }
0xb4: {  	[tilespmem:v3+s16+$0x0] =	vst.idx.msk $0xffff, v9;
	v9 =	vadd.s32 $0x201, v5;
	v3 =	vor.u32 $0x7, v7  }
0xb5: {  	[tilespmem:v6+s16+$0x0] =	vst.idx.msk $0xffff, v9;
	v6 =	vadd.s32 $0x40000, v5  }
0xb6: {  	[tilespmem:v8+s16+$0x0] =	vst.idx.msk $0xffff, v6;
	v6 =	vadd.s32 $0x40001, v5  }
0xb7: {  	s12 =	sadd.s32 $0x10, s12;
	v5 =	vadd.s32 $0x40200, v5;
	[tilespmem:v10+s16+$0x0] =	vst.idx.msk $0xffff, v6  }
0xb8: {  	_ =	sdelay $0x3  }
0xb9: {  	[tilespmem:v4+s16+$0x0] =	vst.idx.msk $0xffff, v5  }
0xba: {  	s26 =	simm.s32 $0x0;
	[tilespmem:v3+s16+$0x0] =	vst.idx.msk $0xffff, v2  }
0xbb: {  	[tilespmem:s17], [sflag:$0x1] =	stream.indirect.gather [hbm4b:s5+s13], $0x1, s16, s13, $0xb8;
	[tilespmem:$0x1D000] =	vst v63  }
.LBB2_10:
0xbc: {  	s29 =	sshll.u32 s26, $0xC;
	s0 =	rddreg [dreg:$0x5]  }
0xbd: {  	s1 =	simm.s32 $0x0;
	s10 =	simm.s32 $0x9000;
	s28 =	sadd.s32 s0, s29  }
0xbe: {  	s2 =	simm.s32 $0x8800;
	s12 =	simm.s32 $0x8000;
	s0 =	sshll.u32 s28, $0x4  }
0xbf: {  	s24 =	simm.s32 $0x9080;
	s11 =	simm.s32 $0x8880;
	s30 =	sadd.s32 s4, s0  }
0xc0: {  	[tilespmem:s1], [sflag:$0x3] =	stream.linear.gather [hbm4b:s30+s1], $0x4000, $0x38;
	[tilespmem:$0x1D000] =	vst v63  }
0xc1: {  	s25 =	simm.s32 $0x8080;
	s31 =	sadd.s32 s0, s7;
	s1 =	simm.s32 $0x0  }
.LBB2_11:
0xc2: {  	s0 =	simm.s32 $0x0  }
0xc3: {  	s6 =	sshll.u32 s1, $0xC;
	v2 =	vmov s0  }
0xc4: {  	s6 =	sadd.s32 s6, s30;
	v2 =	vshll.u32 v2, $0x7  }
0xc5: {  	s6 =	sadd.s32 $0x800, s6;
	v2 =	vor.u32 v0, v2  }
0xc6: {  	[tilespmem:s13], [sflag:$0x4] =	stream.linear.gather [hbm4b:s6+s0], $0x4000, $0x38;
	[tilespmem:$0x1D000] =	vst v63  }
0xc7: {  	_ =	swait.ge [sflag:s14], $0x4000  }
0xc8: {  	[sflag:s14] =	ssyncset.done $0x0  }
0xc9: {  	[sflag:s14] =	ssyncadd.s32 $0xFFFFC000  }
0xca: {  	v3 =	vld.idx.msk [tilespmem:v2+s3+$0x0], $0xffff  }
0xcb: {  	v4 =	vor.u32 $0x1, v2;
	_ =	sdelay $0x3  }
0xcc: {  	[tilespmem:s12+$0x0] =	vst v3  }
0xcd: {  	v3 =	vld.idx.msk [tilespmem:v4+s3+$0x0], $0xffff  }
0xce: {  	v2 =	vor.u32 $0x2, v2;
	_ =	sdelay $0x2  }
0xcf: {  	s9 =	simm.s32 $0x10  }
0xd0: {  	[tilespmem:s2+$0x0] =	vst v3;
	v3 =	vmov s9  }
0xd1: {  	v2 =	vld.idx.msk [tilespmem:v2+s3+$0x0], $0xffff;
	v3 =	vshll.u32 v3, $0x7  }
0xd2: {  	v3 =	vor.u32 v0, v3;
	_ =	sdelay $0x3  }
0xd3: {  	[tilespmem:s10+$0x0] =	vst v2  }
0xd4: {  	v2 =	vld.idx.msk [tilespmem:v3+s3+$0x0], $0xffff  }
0xd5: {  	v4 =	vor.u32 $0x1, v3;
	_ =	sdelay $0x2  }
0xd6: {  	s6 =	sadd.s32 $0x10, s12  }
0xd7: {  	[tilespmem:s6+$0x0] =	vst v2  }
0xd8: {  	v2 =	vld.idx.msk [tilespmem:v4+s3+$0x0], $0xffff  }
0xd9: {  	v4 =	vor.u32 $0x2, v3;
	_ =	sdelay $0x2  }
0xda: {  	s9 =	sadd.s32 $0x10, s2  }
0xdb: {  	s21 =	simm.s32 $0x20;
	[tilespmem:s9+$0x0] =	vst v2  }
0xdc: {  	s0 =	smov.u32 s10;
	v3 =	vmov s21;
	s21 =	simm.s32 $0x30;
	v2 =	vld.idx.msk [tilespmem:v4+s3+$0x0], $0xffff  }
.LBB2_12:
0xdd: {  	p0 =	sne.s32 s21, $0x70;
	v3 =	vshll.u32 v3, $0x7  }
0xde: {  	v3 =	vor.u32 v0, v3;
	_ =	sdelay $0x2  }
0xdf: {  	s0 =	sadd.s32 $0x10, s0  }
0xe0: {  	[tilespmem:s0+$0x0] =	vst v2  }
0xe1: {  	v2 =	vld.idx.msk [tilespmem:v3+s3+$0x0], $0xffff;
	_ =	sdelay $0x1  }
0xe2: {  	v4 =	vor.u32 $0x1, v3;
	_ =	sdelay $0x2  }
0xe3: {  	s6 =	sadd.s32 $0x10, s6  }
0xe4: {  	[tilespmem:s6+$0x0] =	vst v2  }
0xe5: {  	v2 =	vld.idx.msk [tilespmem:v4+s3+$0x0], $0xffff;
	_ =	sdelay $0x1  }
0xe6: {  	v4 =	vor.u32 $0x2, v3  }
.Ltmp4:
0xe7: {  	(pc) =	sbr.rel @p0 .LBB2_12-.Ltmp4, $4  }
0xe8: {  	_ = 	snop  }
0xe9: {  	s9 =	sadd.s32 $0x10, s9  }
0xea: {  	[tilespmem:s9+$0x0] =	vst v2  }
0xeb: {  	v3 =	vmov s21;
	s21 =	sadd.s32 $0x10, s21;
	v2 =	vld.idx.msk [tilespmem:v4+s3+$0x0], $0xffff  }
0xec: {  	v3 =	vshll.u32 v3, $0x7  }
0xed: {  	v3 =	vor.u32 v0, v3;
	_ =	sdelay $0x2  }
0xee: {  	s0 =	sadd.s32 $0x10, s0  }
0xef: {  	[tilespmem:s0+$0x0] =	vst v2  }
0xf0: {  	v2 =	vld.idx.msk [tilespmem:v3+s3+$0x0], $0xffff  }
0xf1: {  	v4 =	vor.u32 $0x1, v3;
	_ =	sdelay $0x2  }
0xf2: {  	s6 =	sadd.s32 $0x10, s6  }
0xf3: {  	[tilespmem:s6+$0x0] =	vst v2  }
0xf4: {  	v2 =	vld.idx.msk [tilespmem:v4+s3+$0x0], $0xffff  }
0xf5: {  	v3 =	vor.u32 $0x2, v3;
	_ =	sdelay $0x2  }
0xf6: {  	s9 =	sadd.s32 $0x10, s9  }
0xf7: {  	[tilespmem:s9+$0x0] =	vst v2  }
0xf8: {  	v2 =	vld.idx.msk [tilespmem:v3+s3+$0x0], $0xffff;
	_ =	sdelay $0x1  }
0xf9: {  	s21 =	simm.s32 $0x0  }
0xfa: {  	p0 =	seq.s32 s1, $0x7;
	v3 =	vmov s21  }
0xfb: {  	s0 =	sadd.s32 $0x10, s0;
	s6 =	sshll.u32 @!p0 s1, $0xC;
	v3 =	vshll.u32 v3, $0x7  }
0xfc: {  	[tilespmem:s0+$0x0] =	vst v2;
	s0 =	sadd.s32 @!p0 s6, s31;
	s6 =	simm.s32 @!p0 $0x0;
	v2 =	vor.u32 v0, v3  }
0xfd: {  	[tilespmem:s6], [sflag:$0x3] =	stream.linear.gather @!p0 [hbm4b:s0+s6], $0x4000, $0x38;
	[tilespmem:$0x1D000] =	vst v63  }
0xfe: {  	_ =	swait.ge [sflag:s15], $0x4000  }
0xff: {  	[sflag:s15] =	ssyncset.done $0x0  }
0x100: {  	[sflag:s15] =	ssyncadd.s32 $0xFFFFC000  }
0x101: {  	v3 =	vld.idx.msk [tilespmem:v2+s13+$0x0], $0xffff  }
0x102: {  	v4 =	vor.u32 $0x1, v2;
	_ =	sdelay $0x3  }
0x103: {  	[tilespmem:s25+$0x0] =	vst v3  }
0x104: {  	v3 =	vld.idx.msk [tilespmem:v4+s13+$0x0], $0xffff  }
0x105: {  	v2 =	vor.u32 $0x2, v2;
	_ =	sdelay $0x2  }
0x106: {  	s9 =	simm.s32 $0x10  }
0x107: {  	[tilespmem:s11+$0x0] =	vst v3;
	v3 =	vmov s9  }
0x108: {  	v2 =	vld.idx.msk [tilespmem:v2+s13+$0x0], $0xffff;
	v3 =	vshll.u32 v3, $0x7  }
0x109: {  	v3 =	vor.u32 v0, v3;
	_ =	sdelay $0x3  }
0x10a: {  	[tilespmem:s24+$0x0] =	vst v2  }
0x10b: {  	v2 =	vld.idx.msk [tilespmem:v3+s13+$0x0], $0xffff  }
0x10c: {  	v4 =	vor.u32 $0x1, v3;
	_ =	sdelay $0x2  }
0x10d: {  	s6 =	sadd.s32 $0x10, s25  }
0x10e: {  	[tilespmem:s6+$0x0] =	vst v2  }
0x10f: {  	v2 =	vld.idx.msk [tilespmem:v4+s13+$0x0], $0xffff  }
0x110: {  	v4 =	vor.u32 $0x2, v3;
	_ =	sdelay $0x2  }
0x111: {  	s9 =	sadd.s32 $0x10, s11  }
0x112: {  	s21 =	simm.s32 $0x20;
	[tilespmem:s9+$0x0] =	vst v2  }
0x113: {  	s0 =	smov.u32 s24;
	v3 =	vmov s21;
	s21 =	simm.s32 $0x30;
	v2 =	vld.idx.msk [tilespmem:v4+s13+$0x0], $0xffff  }
.LBB2_14:
0x114: {  	p0 =	sne.s32 s21, $0x70;
	v3 =	vshll.u32 v3, $0x7  }
0x115: {  	v3 =	vor.u32 v0, v3;
	_ =	sdelay $0x2  }
0x116: {  	s0 =	sadd.s32 $0x10, s0  }
0x117: {  	[tilespmem:s0+$0x0] =	vst v2  }
0x118: {  	v2 =	vld.idx.msk [tilespmem:v3+s13+$0x0], $0xffff;
	_ =	sdelay $0x1  }
0x119: {  	v4 =	vor.u32 $0x1, v3;
	_ =	sdelay $0x2  }
0x11a: {  	s6 =	sadd.s32 $0x10, s6  }
0x11b: {  	[tilespmem:s6+$0x0] =	vst v2  }
0x11c: {  	v2 =	vld.idx.msk [tilespmem:v4+s13+$0x0], $0xffff;
	_ =	sdelay $0x1  }
0x11d: {  	v4 =	vor.u32 $0x2, v3  }
.Ltmp5:
0x11e: {  	(pc) =	sbr.rel @p0 .LBB2_14-.Ltmp5, $4  }
0x11f: {  	_ = 	snop  }
0x120: {  	s9 =	sadd.s32 $0x10, s9  }
0x121: {  	[tilespmem:s9+$0x0] =	vst v2  }
0x122: {  	v3 =	vmov s21;
	s21 =	sadd.s32 $0x10, s21;
	v2 =	vld.idx.msk [tilespmem:v4+s13+$0x0], $0xffff  }
0x123: {  	v3 =	vshll.u32 v3, $0x7  }
0x124: {  	v3 =	vor.u32 v0, v3;
	_ =	sdelay $0x2  }
0x125: {  	s0 =	sadd.s32 $0x10, s0  }
0x126: {  	[tilespmem:s0+$0x0] =	vst v2  }
0x127: {  	v2 =	vld.idx.msk [tilespmem:v3+s13+$0x0], $0xffff  }
0x128: {  	v4 =	vor.u32 $0x1, v3;
	_ =	sdelay $0x2  }
0x129: {  	s6 =	sadd.s32 $0x10, s6  }
0x12a: {  	[tilespmem:s6+$0x0] =	vst v2  }
0x12b: {  	v2 =	vld.idx.msk [tilespmem:v4+s13+$0x0], $0xffff  }
0x12c: {  	v3 =	vor.u32 $0x2, v3;
	_ =	sdelay $0x2  }
0x12d: {  	s21 =	sadd.s32 $0x10, s9  }
0x12e: {  	s1 =	sadd.s32 $0x1, s1;
	[tilespmem:s21+$0x0] =	vst v2  }
0x12f: {  	p0 =	sne.s32 s1, $0x8;
	v2 =	vld.idx.msk [tilespmem:v3+s13+$0x0], $0xffff  }
.Ltmp6:
0x130: {  	_ = 	snop;
	(pc) =	sbr.rel @p0 .LBB2_11-.Ltmp6, $4  }
0x131: {  	_ = 	snop  }
0x132: {  	s10 =	sadd.s32 $0x100, s10  }
0x133: {  	s2 =	sadd.s32 $0x100, s2;
	s12 =	sadd.s32 $0x100, s12;
	s0 =	sadd.s32 $0x10, s0  }
0x134: {  	s24 =	sadd.s32 $0x100, s24;
	s11 =	sadd.s32 $0x100, s11;
	s25 =	sadd.s32 $0x100, s25;
	[tilespmem:s0+$0x0] =	vst v2  }
0x135: {  	s1 =	simm.s32 $0x8000  }
0x136: {  	s2 =	simm.s32 $0x8800;
	v3 =	vld [tilespmem:s1+$0x0]  }
0x137: {  	s0 =	simm.s32 $0x9000;
	v4 =	vld [tilespmem:s2+$0x0]  }
0x138: {  	v2 =	vld [tilespmem:s0+$0x0];
	_ =	sdelay $0x2  }
0x139: {  	v3 =	vmul.f32 $5.110000000e+02, v3  }
0x13a: {  	v4 =	vmul.f32 $5.110000000e+02, v4  }
0x13b: {  	v2 =	vmul.f32 $5.110000000e+02, v2;
	v6 =	vtrunc.f32 v3  }
0x13c: {  	v7 =	vtrunc.f32 v4;
	v6 =	vcvt.f32.s32 v6  }
0x13d: {  	v5 =	vtrunc.f32 v2;
	v7 =	vcvt.f32.s32 v7  }
0x13e: {  	s6 =	simm.s32 $0x0;
	v5 =	vcvt.f32.s32 v5;
	vm0 =	vlt.s32 v6, $0x1FE  }
0x13f: {  	v8 =	vmov s6;
	vm15 =	vlt.s32 v7, $0x1FE;
	v6 =	vnsel vm0, $0x1FE, v6  }
0x140: {  	vm1 =	vlt.s32 v5, $0x1FE;
	v7 =	vnsel vm15, $0x1FE, v7;
	v9 =	vcvt.s32.f32 v6  }
0x141: {  	v8 =	vshll.u32 v8, $0x3;
	v5 =	vnsel vm1, $0x1FE, v5;
	v10 =	vcvt.s32.f32 v7  }
0x142: {  	v8 =	vor.u32 v1, v8;
	v11 =	vcvt.s32.f32 v5;
	v3 =	vsub.f32 v3, v9  }
0x143: {  	s9 =	simm.s32 $0x1B000;
	v63 =	vor.u32 $0x1, v8;
	v6 =	vshll.u32 v6, $0x12;
	v4 =	vsub.f32 v4, v10  }
0x144: {  	s6 =	sand.u32 $0x7F0, s6;
	v7 =	vshll.u32 v7, $0x9;
	v2 =	vsub.f32 v2, v11;
	[tilespmem:s9+$0x0] =	vst v3;
	v3 =	vor.u32 $0x2, v8  }
0x145: {  	v6 =	vadd.s32 v6, v7;
	[tilespmem:s6+$0x1B800] =	vst v4;
	v4 =	vor.u32 $0x3, v8  }
0x146: {  	v5 =	vadd.s32 v5, v6;
	v6 =	vor.u32 $0x4, v8;
	[tilespmem:s6+$0x1C000] =	vst v2  }
0x147: {  	v2 =	vadd.s32 $0x1, v5;
	[tilespmem:v8+s18+$0x0] =	vst.idx.msk $0xffff, v5  }
0x148: {  	[tilespmem:v63+s18+$0x0] =	vst.idx.msk $0xffff, v2;
	v2 =	vadd.s32 $0x200, v5  }
0x149: {  	v7 =	vor.u32 $0x5, v8;
	[tilespmem:v3+s18+$0x0] =	vst.idx.msk $0xffff, v2;
	v2 =	vadd.s32 $0x201, v5  }
0x14a: {  	v3 =	vadd.s32 $0x40000, v5;
	[tilespmem:v4+s18+$0x0] =	vst.idx.msk $0xffff, v2;
	v4 =	vor.u32 $0x6, v8  }
0x14b: {  	[tilespmem:v6+s18+$0x0] =	vst.idx.msk $0xffff, v3;
	v3 =	vor.u32 $0x7, v8;
	_ =	sdelay $0x1  }
0x14c: {  	v6 =	vadd.s32 $0x40001, v5  }
0x14d: {  	s11 =	simm.s32 $0x10;
	s12 =	simm.s32 $0x1B010;
	v2 =	vadd.s32 $0x40201, v5;
	v5 =	vadd.s32 $0x40200, v5;
	[tilespmem:v7+s18+$0x0] =	vst.idx.msk $0xffff, v6  }
.LBB2_17:
0x14e: {  	[tilespmem:v4+s18+$0x0] =	vst.idx.msk $0xffff, v5;
	s1 =	sadd.s32 $0x10, s1;
	s2 =	sadd.s32 $0x10, s2;
	s0 =	sadd.s32 $0x10, s0  }
0x14f: {  	p0 =	sne.s32 s11, $0x7F0;
	s6 =	smov.u32 s11;
	s11 =	sadd.s32 $0x10, s11;
	[tilespmem:v3+s18+$0x0] =	vst.idx.msk $0xffff, v2  }
0x150: {  	v2 =	vld [tilespmem:s0+$0x0]  }
0x151: {  	v3 =	vld [tilespmem:s1+$0x0]  }
0x152: {  	v4 =	vld [tilespmem:s2+$0x0];
	_ =	sdelay $0x2  }
0x153: {  	v2 =	vmul.f32 $5.110000000e+02, v2  }
0x154: {  	v3 =	vmul.f32 $5.110000000e+02, v3  }
0x155: {  	v4 =	vmul.f32 $5.110000000e+02, v4;
	v5 =	vtrunc.f32 v2  }
0x156: {  	v6 =	vtrunc.f32 v3;
	v5 =	vcvt.f32.s32 v5  }
0x157: {  	v6 =	vcvt.f32.s32 v6;
	v7 =	vtrunc.f32 v4  }
0x158: {  	v7 =	vcvt.f32.s32 v7;
	vm0 =	vlt.s32 v5, $0x1FE  }
0x159: {  	v8 =	vmov s6;
	vm1 =	vlt.s32 v6, $0x1FE;
	v5 =	vnsel vm0, $0x1FE, v5  }
0x15a: {  	v6 =	vnsel vm1, $0x1FE, v6;
	vm0 =	vlt.s32 v7, $0x1FE;
	v9 =	vcvt.s32.f32 v5  }
0x15b: {  	v8 =	vshll.u32 v8, $0x3;
	v7 =	vnsel vm0, $0x1FE, v7;
	v10 =	vcvt.s32.f32 v6  }
0x15c: {  	v6 =	vshll.u32 v6, $0x12;
	v11 =	vcvt.s32.f32 v7;
	v7 =	vshll.u32 v7, $0x9  }
0x15d: {  	v3 =	vsub.f32 v3, v10;
	v6 =	vadd.s32 v6, v7;
	v7 =	vor.u32 v1, v8  }
0x15e: {  	v8 =	vsub.f32 v2, v9;
	v4 =	vsub.f32 v4, v11;
	v9 =	vor.u32 $0x1, v7  }
0x15f: {  	s6 =	sand.u32 $0x7F0, s6;
	v5 =	vadd.s32 v5, v6;
	[tilespmem:s12+$0x0] =	vst v3;
	v3 =	vor.u32 $0x2, v7  }
0x160: {  	v6 =	vor.u32 $0x3, v7;
	v2 =	vadd.s32 $0x40201, v5;
	[tilespmem:s6+$0x1B800] =	vst v4  }
0x161: {  	[tilespmem:s6+$0x1C000] =	vst v8;
	v8 =	vor.u32 $0x4, v7  }
0x162: {  	v10 =	vor.u32 $0x5, v7;
	v4 =	vadd.s32 $0x1, v5;
	[tilespmem:v7+s18+$0x0] =	vst.idx.msk $0xffff, v5  }
.Ltmp7:
0x163: {  	[tilespmem:v9+s18+$0x0] =	vst.idx.msk $0xffff, v4;
	v9 =	vadd.s32 $0x200, v5;
	v4 =	vor.u32 $0x6, v7;
	(pc) =	sbr.rel @p0 .LBB2_17-.Ltmp7, $4  }
0x164: {  	[tilespmem:v3+s18+$0x0] =	vst.idx.msk $0xffff, v9;
	v9 =	vadd.s32 $0x201, v5;
	v3 =	vor.u32 $0x7, v7  }
0x165: {  	[tilespmem:v6+s18+$0x0] =	vst.idx.msk $0xffff, v9;
	v6 =	vadd.s32 $0x40000, v5  }
0x166: {  	[tilespmem:v8+s18+$0x0] =	vst.idx.msk $0xffff, v6;
	v6 =	vadd.s32 $0x40001, v5  }
0x167: {  	s12 =	sadd.s32 $0x10, s12;
	v5 =	vadd.s32 $0x40200, v5;
	[tilespmem:v10+s18+$0x0] =	vst.idx.msk $0xffff, v6  }
0x168: {  	_ =	sdelay $0x1  }
0x169: {  	s0 =	simm.s32 $0x0  }
0x16a: {  	v6 =	vmov s0  }
0x16b: {  	[tilespmem:v4+s18+$0x0] =	vst.idx.msk $0xffff, v5;
	v4 =	vshll.u32 v6, $0x3  }
0x16c: {  	[tilespmem:v3+s18+$0x0] =	vst.idx.msk $0xffff, v2;
	v2 =	vor.u32 v1, v4  }
0x16d: {  	[tilespmem:s19], [sflag:$0x2] =	stream.indirect.gather [hbm4b:s5+s13], $0x1, s18, s13, $0xb8;
	v3 =	vor.u32 $0x1, v2;
	[tilespmem:$0x1D000] =	vst v63  }
0x16e: {  	_ =	swait.ge [sflag:s20], $0x4000;
	v4 =	vor.u32 $0x2, v2  }
0x16f: {  	[sflag:s20] =	ssyncset.done $0x0;
	v5 =	vor.u32 $0x3, v2  }
0x170: {  	v6 =	vor.u32 $0x4, v2;
	[sflag:s20] =	ssyncadd.s32 $0xFFFFC000  }
0x171: {  	v8 =	vor.u32 $0x5, v2;
	v7 =	vld.idx.msk [tilespmem:v2+s17+$0x0], $0xffff  }
0x172: {  	v9 =	vor.u32 $0x6, v2;
	v3 =	vld.idx.msk [tilespmem:v3+s17+$0x0], $0xffff  }
0x173: {  	v2 =	vor.u32 $0x7, v2;
	v4 =	vld.idx.msk [tilespmem:v4+s17+$0x0], $0xffff  }
0x174: {  	v5 =	vld.idx.msk [tilespmem:v5+s17+$0x0], $0xffff  }
0x175: {  	v6 =	vld.idx.msk [tilespmem:v6+s17+$0x0], $0xffff  }
0x176: {  	v8 =	vld.idx.msk [tilespmem:v8+s17+$0x0], $0xffff  }
0x177: {  	v9 =	vld.idx.msk [tilespmem:v9+s17+$0x0], $0xffff  }
0x178: {  	s0 =	sand.u32 $0x7F0, s0;
	v2 =	vld.idx.msk [tilespmem:v2+s17+$0x0], $0xffff  }
0x179: {  	v10 =	vld [tilespmem:s0+$0x1A800];
	_ =	sdelay $0x2  }
0x17a: {  	v3 =	vsub.f32 v3, v7;
	v5 =	vsub.f32 v5, v4  }
0x17b: {  	v8 =	vsub.f32 v8, v6;
	v2 =	vsub.f32 v2, v9  }
0x17c: {  	v3 =	vmul.f32 v3, v10;
	v5 =	vmul.f32 v5, v10  }
0x17d: {  	v8 =	vmul.f32 v8, v10;
	v2 =	vmul.f32 v2, v10  }
0x17e: {  	v63 =	vld [tilespmem:s0+$0x1A000];
	v3 =	vadd.f32 v3, v7;
	v4 =	vadd.f32 v5, v4  }
0x17f: {  	v5 =	vadd.f32 v8, v6;
	v2 =	vadd.f32 v2, v9;
	_ =	sdelay $0x1  }
0x180: {  	v4 =	vsub.f32 v4, v3;
	v2 =	vsub.f32 v2, v5;
	_ =	sdelay $0x1  }
0x181: {  	s0 =	simm.s32 $0x19800;
	v4 =	vmul.f32 v4, v63;
	v2 =	vmul.f32 v2, v63  }
0x182: {  	v6 =	vld [tilespmem:s0+$0x0]  }
0x183: {  	v3 =	vadd.f32 v4, v3;
	v2 =	vadd.f32 v2, v5;
	_ =	sdelay $0x1  }
0x184: {  	s2 =	simm.s32 $0x10;
	v2 =	vsub.f32 v2, v3  }
0x185: {  	v4 =	vmov s2  }
0x186: {  	v5 =	vmul.f32 v2, v6;
	v2 =	vshll.u32 v4, $0x3  }
0x187: {  	v2 =	vor.u32 v1, v2  }
0x188: {  	v6 =	vor.u32 $0x1, v2  }
0x189: {  	v7 =	vadd.f32 v5, v3;
	v4 =	vor.u32 $0x2, v2  }
0x18a: {  	s1 =	simm.s32 $0x1C800;
	v3 =	vor.u32 $0x3, v2  }
0x18b: {  	s11 =	simm.s32 $0x20;
	v5 =	vor.u32 $0x4, v2;
	[tilespmem:s1+$0x0] =	vst v7  }
.LBB2_19:
0x18c: {  	p0 =	sne.s32 s11, $0x7F0;
	v7 =	vld.idx.msk [tilespmem:v2+s17+$0x0], $0xffff;
	v8 =	vor.u32 $0x5, v2  }
0x18d: {  	v9 =	vor.u32 $0x6, v2;
	v6 =	vld.idx.msk [tilespmem:v6+s17+$0x0], $0xffff  }
0x18e: {  	v2 =	vor.u32 $0x7, v2;
	v4 =	vld.idx.msk [tilespmem:v4+s17+$0x0], $0xffff  }
0x18f: {  	v3 =	vld.idx.msk [tilespmem:v3+s17+$0x0], $0xffff  }
0x190: {  	v5 =	vld.idx.msk [tilespmem:v5+s17+$0x0], $0xffff  }
0x191: {  	v8 =	vld.idx.msk [tilespmem:v8+s17+$0x0], $0xffff  }
0x192: {  	v9 =	vld.idx.msk [tilespmem:v9+s17+$0x0], $0xffff  }
0x193: {  	v2 =	vld.idx.msk [tilespmem:v2+s17+$0x0], $0xffff  }
0x194: {  	s6 =	sand.u32 $0x7F0, s2;
	s2 =	smov.u32 s11  }
0x195: {  	v10 =	vld [tilespmem:s6+$0x1A800];
	_ =	sdelay $0x2  }
0x196: {  	v6 =	vsub.f32 v6, v7;
	v3 =	vsub.f32 v3, v4  }
0x197: {  	v8 =	vsub.f32 v8, v5;
	v2 =	vsub.f32 v2, v9  }
0x198: {  	v6 =	vmul.f32 v6, v10;
	v3 =	vmul.f32 v3, v10  }
0x199: {  	v8 =	vmul.f32 v8, v10;
	v2 =	vmul.f32 v2, v10  }
0x19a: {  	v10 =	vld [tilespmem:s6+$0x1A000];
	v6 =	vadd.f32 v6, v7;
	v3 =	vadd.f32 v3, v4  }
0x19b: {  	v4 =	vadd.f32 v8, v5;
	v2 =	vadd.f32 v2, v9;
	_ =	sdelay $0x1  }
0x19c: {  	v3 =	vsub.f32 v3, v6;
	v2 =	vsub.f32 v2, v4;
	_ =	sdelay $0x1  }
0x19d: {  	s0 =	sadd.s32 $0x10, s0;
	v3 =	vmul.f32 v3, v10;
	v2 =	vmul.f32 v2, v10  }
0x19e: {  	v5 =	vld [tilespmem:s0+$0x0]  }
0x19f: {  	v3 =	vadd.f32 v3, v6;
	v2 =	vadd.f32 v2, v4;
	_ =	sdelay $0x1  }
0x1a0: {  	v4 =	vmov s11;
	v6 =	vsub.f32 v2, v3  }
0x1a1: {  	v2 =	vshll.u32 v4, $0x3  }
.Ltmp8:
0x1a2: {  	v2 =	vor.u32 v1, v2;
	v5 =	vmul.f32 v6, v5;
	(pc) =	sbr.rel @p0 .LBB2_19-.Ltmp8, $4  }
0x1a3: {  	v6 =	vor.u32 $0x1, v2  }
0x1a4: {  	v4 =	vor.u32 $0x2, v2;
	v7 =	vadd.f32 v5, v3  }
0x1a5: {  	s1 =	sadd.s32 $0x10, s1;
	v3 =	vor.u32 $0x3, v2  }
0x1a6: {  	s11 =	sadd.s32 $0x10, s11;
	v5 =	vor.u32 $0x4, v2;
	[tilespmem:s1+$0x0] =	vst v7  }
0x1a7: {  	_ =	sdelay $0x3  }
0x1a8: {  	v7 =	vld.idx.msk [tilespmem:v2+s17+$0x0], $0xffff;
	v8 =	vor.u32 $0x5, v2  }
0x1a9: {  	v6 =	vld.idx.msk [tilespmem:v6+s17+$0x0], $0xffff;
	v9 =	vor.u32 $0x6, v2  }
0x1aa: {  	v4 =	vld.idx.msk [tilespmem:v4+s17+$0x0], $0xffff;
	v2 =	vor.u32 $0x7, v2  }
0x1ab: {  	v3 =	vld.idx.msk [tilespmem:v3+s17+$0x0], $0xffff  }
0x1ac: {  	v5 =	vld.idx.msk [tilespmem:v5+s17+$0x0], $0xffff  }
0x1ad: {  	v8 =	vld.idx.msk [tilespmem:v8+s17+$0x0], $0xffff  }
0x1ae: {  	v9 =	vld.idx.msk [tilespmem:v9+s17+$0x0], $0xffff  }
0x1af: {  	s2 =	sand.u32 $0x7F0, s2;
	v2 =	vld.idx.msk [tilespmem:v2+s17+$0x0], $0xffff  }
0x1b0: {  	v10 =	vld [tilespmem:s2+$0x1A800];
	_ =	sdelay $0x2  }
0x1b1: {  	v6 =	vsub.f32 v6, v7;
	v3 =	vsub.f32 v3, v4  }
0x1b2: {  	v8 =	vsub.f32 v8, v5;
	v2 =	vsub.f32 v2, v9  }
0x1b3: {  	v6 =	vmul.f32 v6, v10;
	v3 =	vmul.f32 v3, v10  }
0x1b4: {  	v8 =	vmul.f32 v8, v10;
	v2 =	vmul.f32 v2, v10  }
0x1b5: {  	v61 =	vld [tilespmem:s2+$0x1A000];
	v6 =	vadd.f32 v6, v7;
	v3 =	vadd.f32 v3, v4  }
0x1b6: {  	v62 =	vadd.f32 v8, v5;
	v2 =	vadd.f32 v2, v9;
	_ =	sdelay $0x1  }
0x1b7: {  	v3 =	vsub.f32 v3, v6;
	v2 =	vsub.f32 v2, v62;
	_ =	sdelay $0x1  }
0x1b8: {  	s0 =	sadd.s32 $0x10, s0;
	v3 =	vmul.f32 v3, v61;
	v2 =	vmul.f32 v2, v61  }
0x1b9: {  	v63 =	vld [tilespmem:s0+$0x0]  }
0x1ba: {  	v3 =	vadd.f32 v3, v6;
	v2 =	vadd.f32 v2, v62;
	_ =	sdelay $0x1  }
0x1bb: {  	v2 =	vsub.f32 v2, v3;
	_ =	sdelay $0x1  }
0x1bc: {  	v2 =	vmul.f32 v2, v63  }
0x1bd: {  	s25 =	rddreg [dreg:$0x3]  }
0x1be: {  	s1 =	sadd.s32 $0x10, s1;
	s0 =	sor.u32 s25, s29;
	v2 =	vadd.f32 v2, v3  }
0x1bf: {  	s30 =	rddreg [dreg:$0x1];
	p0 =	seq.s32 s26, $0xF;
	s0 =	sshrl.u32 s0, $0x3  }
.Ltmp9:
0x1c0: {  	s31 =	simm.s32 $0x1C800;
	s0 =	sadd.s32 s30, s0;
	[tilespmem:s1+$0x0] =	vst v2;
	(pc) =	sbr.rel @p0 .LBB2_30-.Ltmp9, $4  }
0x1c1: {  	[hbm4b:s0+s3] =	stream.linear.scatter [tilespmem:s31], [sflag:$0x5], $0x800, $0x38;
	[tilespmem:$0x1D000] =	vst v63  }
0x1c2: {  	_ =	swait.ge [sflag:s22], $0x800  }
0x1c3: {  	[sflag:s22] =	ssyncset.done $0x0  }
0x1c4: {  	[sflag:s22] =	ssyncadd.s32 $0xFFFFF800  }
0x1c5: {  	s0 =	rddreg [dreg:$0x6]  }
0x1c6: {  	s30 =	simm.s32 $0x0;
	s2 =	simm.s32 $0x8800;
	s12 =	simm.s32 $0x8000  }
0x1c7: {  	s11 =	simm.s32 $0x9080;
	s24 =	simm.s32 $0x8880;
	s0 =	sadd.s32 s29, s0  }
0x1c8: {  	s1 =	simm.s32 $0x8080;
	s25 =	simm.s32 $0x0;
	s0 =	sshll.u32 s0, $0x4  }
0x1c9: {  	s29 =	sadd.s32 s4, s0;
	s31 =	sadd.s32 s0, s7;
	s0 =	simm.s32 $0x9000  }
0x1ca: {  	[tilespmem:s30], [sflag:$0x3] =	stream.linear.gather [hbm4b:s29+s30], $0x4000, $0x38;
	[tilespmem:$0x1D000] =	vst v63  }
.LBB2_22:
0x1cb: {  	s6 =	sshll.u32 s25, $0xC;
	v2 =	vmov s30  }
0x1cc: {  	s6 =	sadd.s32 s6, s29;
	v2 =	vshll.u32 v2, $0x7  }
0x1cd: {  	s6 =	sadd.s32 $0x800, s6;
	v2 =	vor.u32 v0, v2  }
0x1ce: {  	[tilespmem:s13], [sflag:$0x4] =	stream.linear.gather [hbm4b:s6+s30], $0x4000, $0x38;
	[tilespmem:$0x1D000] =	vst v63  }
0x1cf: {  	_ =	swait.ge [sflag:s14], $0x4000  }
0x1d0: {  	[sflag:s14] =	ssyncset.done $0x0  }
0x1d1: {  	[sflag:s14] =	ssyncadd.s32 $0xFFFFC000  }
0x1d2: {  	v3 =	vld.idx.msk [tilespmem:v2+s3+$0x0], $0xffff  }
0x1d3: {  	v4 =	vor.u32 $0x1, v2;
	_ =	sdelay $0x3  }
0x1d4: {  	[tilespmem:s12+$0x0] =	vst v3  }
0x1d5: {  	v3 =	vld.idx.msk [tilespmem:v4+s3+$0x0], $0xffff  }
0x1d6: {  	v2 =	vor.u32 $0x2, v2;
	_ =	sdelay $0x2  }
0x1d7: {  	s21 =	simm.s32 $0x10  }
0x1d8: {  	[tilespmem:s2+$0x0] =	vst v3;
	v3 =	vmov s21  }
0x1d9: {  	v2 =	vld.idx.msk [tilespmem:v2+s3+$0x0], $0xffff;
	v3 =	vshll.u32 v3, $0x7  }
0x1da: {  	v3 =	vor.u32 v0, v3;
	_ =	sdelay $0x3  }
0x1db: {  	[tilespmem:s0+$0x0] =	vst v2  }
0x1dc: {  	v2 =	vld.idx.msk [tilespmem:v3+s3+$0x0], $0xffff  }
0x1dd: {  	v4 =	vor.u32 $0x1, v3;
	_ =	sdelay $0x2  }
0x1de: {  	s6 =	sadd.s32 $0x10, s12  }
0x1df: {  	[tilespmem:s6+$0x0] =	vst v2  }
0x1e0: {  	v2 =	vld.idx.msk [tilespmem:v4+s3+$0x0], $0xffff  }
0x1e1: {  	v4 =	vor.u32 $0x2, v3;
	_ =	sdelay $0x2  }
0x1e2: {  	s9 =	sadd.s32 $0x10, s2  }
0x1e3: {  	s10 =	simm.s32 $0x20;
	[tilespmem:s9+$0x0] =	vst v2  }
0x1e4: {  	s21 =	simm.s32 $0x30;
	v3 =	vmov s10;
	s10 =	smov.u32 s0;
	v2 =	vld.idx.msk [tilespmem:v4+s3+$0x0], $0xffff  }
.LBB2_23:
0x1e5: {  	p0 =	sne.s32 s21, $0x70;
	v3 =	vshll.u32 v3, $0x7  }
0x1e6: {  	v3 =	vor.u32 v0, v3;
	_ =	sdelay $0x2  }
0x1e7: {  	s10 =	sadd.s32 $0x10, s10  }
0x1e8: {  	[tilespmem:s10+$0x0] =	vst v2  }
0x1e9: {  	v2 =	vld.idx.msk [tilespmem:v3+s3+$0x0], $0xffff;
	_ =	sdelay $0x1  }
0x1ea: {  	v4 =	vor.u32 $0x1, v3;
	_ =	sdelay $0x2  }
0x1eb: {  	s6 =	sadd.s32 $0x10, s6  }
0x1ec: {  	[tilespmem:s6+$0x0] =	vst v2  }
0x1ed: {  	v2 =	vld.idx.msk [tilespmem:v4+s3+$0x0], $0xffff;
	_ =	sdelay $0x1  }
0x1ee: {  	v4 =	vor.u32 $0x2, v3  }
.Ltmp10:
0x1ef: {  	(pc) =	sbr.rel @p0 .LBB2_23-.Ltmp10, $4  }
0x1f0: {  	_ = 	snop  }
0x1f1: {  	s9 =	sadd.s32 $0x10, s9  }
0x1f2: {  	[tilespmem:s9+$0x0] =	vst v2  }
0x1f3: {  	v3 =	vmov s21;
	s21 =	sadd.s32 $0x10, s21;
	v2 =	vld.idx.msk [tilespmem:v4+s3+$0x0], $0xffff  }
0x1f4: {  	v3 =	vshll.u32 v3, $0x7  }
0x1f5: {  	v3 =	vor.u32 v0, v3;
	_ =	sdelay $0x2  }
0x1f6: {  	s10 =	sadd.s32 $0x10, s10  }
0x1f7: {  	[tilespmem:s10+$0x0] =	vst v2  }
0x1f8: {  	v2 =	vld.idx.msk [tilespmem:v3+s3+$0x0], $0xffff  }
0x1f9: {  	v4 =	vor.u32 $0x1, v3;
	_ =	sdelay $0x2  }
0x1fa: {  	s6 =	sadd.s32 $0x10, s6  }
0x1fb: {  	[tilespmem:s6+$0x0] =	vst v2  }
0x1fc: {  	v2 =	vld.idx.msk [tilespmem:v4+s3+$0x0], $0xffff  }
0x1fd: {  	v3 =	vor.u32 $0x2, v3;
	_ =	sdelay $0x2  }
0x1fe: {  	s21 =	sadd.s32 $0x10, s9  }
0x1ff: {  	[tilespmem:s21+$0x0] =	vst v2  }
0x200: {  	v2 =	vld.idx.msk [tilespmem:v3+s3+$0x0], $0xffff;
	_ =	sdelay $0x1  }
0x201: {  	s9 =	simm.s32 $0x0  }
0x202: {  	p0 =	seq.s32 s25, $0x7;
	v3 =	vmov s9  }
0x203: {  	s21 =	sadd.s32 $0x10, s10;
	s9 =	sshll.u32 @!p0 s25, $0xC;
	v3 =	vshll.u32 v3, $0x7  }
0x204: {  	s6 =	sadd.s32 @!p0 s9, s31;
	s9 =	simm.s32 @!p0 $0x0;
	[tilespmem:s21+$0x0] =	vst v2;
	v2 =	vor.u32 v0, v3  }
0x205: {  	[tilespmem:s9], [sflag:$0x3] =	stream.linear.gather @!p0 [hbm4b:s6+s9], $0x4000, $0x38;
	[tilespmem:$0x1D000] =	vst v63  }
0x206: {  	_ =	swait.ge [sflag:s15], $0x4000  }
0x207: {  	[sflag:s15] =	ssyncset.done $0x0  }
0x208: {  	[sflag:s15] =	ssyncadd.s32 $0xFFFFC000  }
0x209: {  	v3 =	vld.idx.msk [tilespmem:v2+s13+$0x0], $0xffff  }
0x20a: {  	v4 =	vor.u32 $0x1, v2;
	_ =	sdelay $0x3  }
0x20b: {  	[tilespmem:s1+$0x0] =	vst v3  }
0x20c: {  	v3 =	vld.idx.msk [tilespmem:v4+s13+$0x0], $0xffff  }
0x20d: {  	v2 =	vor.u32 $0x2, v2;
	_ =	sdelay $0x2  }
0x20e: {  	s10 =	simm.s32 $0x10  }
0x20f: {  	[tilespmem:s24+$0x0] =	vst v3;
	v3 =	vmov s10  }
0x210: {  	v2 =	vld.idx.msk [tilespmem:v2+s13+$0x0], $0xffff;
	v3 =	vshll.u32 v3, $0x7  }
0x211: {  	v3 =	vor.u32 v0, v3;
	_ =	sdelay $0x3  }
0x212: {  	[tilespmem:s11+$0x0] =	vst v2  }
0x213: {  	v2 =	vld.idx.msk [tilespmem:v3+s13+$0x0], $0xffff  }
0x214: {  	v4 =	vor.u32 $0x1, v3;
	_ =	sdelay $0x2  }
0x215: {  	s6 =	sadd.s32 $0x10, s1  }
0x216: {  	[tilespmem:s6+$0x0] =	vst v2  }
0x217: {  	v2 =	vld.idx.msk [tilespmem:v4+s13+$0x0], $0xffff  }
0x218: {  	v4 =	vor.u32 $0x2, v3;
	_ =	sdelay $0x2  }
0x219: {  	s9 =	sadd.s32 $0x10, s24  }
0x21a: {  	s21 =	simm.s32 $0x20;
	[tilespmem:s9+$0x0] =	vst v2  }
0x21b: {  	s10 =	smov.u32 s11;
	v3 =	vmov s21;
	s21 =	simm.s32 $0x30;
	v2 =	vld.idx.msk [tilespmem:v4+s13+$0x0], $0xffff  }
.LBB2_25:
0x21c: {  	p0 =	sne.s32 s21, $0x70;
	v3 =	vshll.u32 v3, $0x7  }
0x21d: {  	v3 =	vor.u32 v0, v3;
	_ =	sdelay $0x2  }
0x21e: {  	s10 =	sadd.s32 $0x10, s10  }
0x21f: {  	[tilespmem:s10+$0x0] =	vst v2  }
0x220: {  	v2 =	vld.idx.msk [tilespmem:v3+s13+$0x0], $0xffff;
	_ =	sdelay $0x1  }
0x221: {  	v4 =	vor.u32 $0x1, v3;
	_ =	sdelay $0x2  }
0x222: {  	s6 =	sadd.s32 $0x10, s6  }
0x223: {  	[tilespmem:s6+$0x0] =	vst v2  }
0x224: {  	v2 =	vld.idx.msk [tilespmem:v4+s13+$0x0], $0xffff;
	_ =	sdelay $0x1  }
0x225: {  	v4 =	vor.u32 $0x2, v3  }
.Ltmp11:
0x226: {  	(pc) =	sbr.rel @p0 .LBB2_25-.Ltmp11, $4  }
0x227: {  	_ = 	snop  }
0x228: {  	s9 =	sadd.s32 $0x10, s9  }
0x229: {  	[tilespmem:s9+$0x0] =	vst v2  }
0x22a: {  	v3 =	vmov s21;
	s21 =	sadd.s32 $0x10, s21;
	v2 =	vld.idx.msk [tilespmem:v4+s13+$0x0], $0xffff  }
0x22b: {  	v3 =	vshll.u32 v3, $0x7  }
0x22c: {  	v3 =	vor.u32 v0, v3;
	_ =	sdelay $0x2  }
0x22d: {  	s10 =	sadd.s32 $0x10, s10  }
0x22e: {  	[tilespmem:s10+$0x0] =	vst v2  }
0x22f: {  	v2 =	vld.idx.msk [tilespmem:v3+s13+$0x0], $0xffff  }
0x230: {  	v4 =	vor.u32 $0x1, v3;
	_ =	sdelay $0x2  }
0x231: {  	s6 =	sadd.s32 $0x10, s6  }
0x232: {  	[tilespmem:s6+$0x0] =	vst v2  }
0x233: {  	v2 =	vld.idx.msk [tilespmem:v4+s13+$0x0], $0xffff  }
0x234: {  	v3 =	vor.u32 $0x2, v3;
	_ =	sdelay $0x2  }
0x235: {  	s9 =	sadd.s32 $0x10, s9  }
0x236: {  	s25 =	sadd.s32 $0x1, s25;
	[tilespmem:s9+$0x0] =	vst v2  }
0x237: {  	p0 =	sne.s32 s25, $0x8;
	v2 =	vld.idx.msk [tilespmem:v3+s13+$0x0], $0xffff  }
.Ltmp12:
0x238: {  	_ = 	snop;
	(pc) =	sbr.rel @p0 .LBB2_22-.Ltmp12, $4  }
0x239: {  	_ = 	snop  }
0x23a: {  	s0 =	sadd.s32 $0x100, s0  }
0x23b: {  	s2 =	sadd.s32 $0x100, s2;
	s12 =	sadd.s32 $0x100, s12;
	s21 =	sadd.s32 $0x10, s10  }
0x23c: {  	s11 =	sadd.s32 $0x100, s11;
	s24 =	sadd.s32 $0x100, s24;
	s1 =	sadd.s32 $0x100, s1;
	[tilespmem:s21+$0x0] =	vst v2  }
0x23d: {  	s1 =	simm.s32 $0x8000  }
0x23e: {  	s2 =	simm.s32 $0x8800;
	v3 =	vld [tilespmem:s1+$0x0]  }
0x23f: {  	s0 =	simm.s32 $0x9000;
	v4 =	vld [tilespmem:s2+$0x0]  }
0x240: {  	v2 =	vld [tilespmem:s0+$0x0];
	_ =	sdelay $0x2  }
0x241: {  	v3 =	vmul.f32 $5.110000000e+02, v3  }
0x242: {  	v4 =	vmul.f32 $5.110000000e+02, v4  }
0x243: {  	v2 =	vmul.f32 $5.110000000e+02, v2;
	v6 =	vtrunc.f32 v3  }
0x244: {  	v7 =	vtrunc.f32 v4;
	v6 =	vcvt.f32.s32 v6  }
0x245: {  	v5 =	vtrunc.f32 v2;
	v7 =	vcvt.f32.s32 v7  }
0x246: {  	s6 =	simm.s32 $0x0;
	v5 =	vcvt.f32.s32 v5;
	vm0 =	vlt.s32 v6, $0x1FE  }
0x247: {  	v8 =	vmov s6;
	vm15 =	vlt.s32 v7, $0x1FE;
	v6 =	vnsel vm0, $0x1FE, v6  }
0x248: {  	vm1 =	vlt.s32 v5, $0x1FE;
	v7 =	vnsel vm15, $0x1FE, v7;
	v9 =	vcvt.s32.f32 v6  }
0x249: {  	v8 =	vshll.u32 v8, $0x3;
	v5 =	vnsel vm1, $0x1FE, v5;
	v10 =	vcvt.s32.f32 v7  }
0x24a: {  	v8 =	vor.u32 v1, v8;
	v11 =	vcvt.s32.f32 v5;
	v3 =	vsub.f32 v3, v9  }
0x24b: {  	s9 =	simm.s32 $0x19800;
	v63 =	vor.u32 $0x1, v8;
	v6 =	vshll.u32 v6, $0x12;
	v4 =	vsub.f32 v4, v10  }
0x24c: {  	s6 =	sand.u32 $0x7F0, s6;
	v7 =	vshll.u32 v7, $0x9;
	v2 =	vsub.f32 v2, v11;
	[tilespmem:s9+$0x0] =	vst v3;
	v3 =	vor.u32 $0x2, v8  }
0x24d: {  	v6 =	vadd.s32 v6, v7;
	[tilespmem:s6+$0x1A000] =	vst v4;
	v4 =	vor.u32 $0x3, v8  }
0x24e: {  	v5 =	vadd.s32 v5, v6;
	v6 =	vor.u32 $0x4, v8;
	[tilespmem:s6+$0x1A800] =	vst v2  }
0x24f: {  	v2 =	vadd.s32 $0x1, v5;
	[tilespmem:v8+s16+$0x0] =	vst.idx.msk $0xffff, v5  }
0x250: {  	[tilespmem:v63+s16+$0x0] =	vst.idx.msk $0xffff, v2;
	v2 =	vadd.s32 $0x200, v5  }
0x251: {  	v7 =	vor.u32 $0x5, v8;
	[tilespmem:v3+s16+$0x0] =	vst.idx.msk $0xffff, v2;
	v2 =	vadd.s32 $0x201, v5  }
0x252: {  	v3 =	vadd.s32 $0x40000, v5;
	[tilespmem:v4+s16+$0x0] =	vst.idx.msk $0xffff, v2;
	v4 =	vor.u32 $0x6, v8  }
0x253: {  	[tilespmem:v6+s16+$0x0] =	vst.idx.msk $0xffff, v3;
	v3 =	vor.u32 $0x7, v8;
	_ =	sdelay $0x1  }
0x254: {  	v6 =	vadd.s32 $0x40001, v5  }
0x255: {  	s11 =	simm.s32 $0x10;
	s12 =	simm.s32 $0x19810;
	v2 =	vadd.s32 $0x40201, v5;
	v5 =	vadd.s32 $0x40200, v5;
	[tilespmem:v7+s16+$0x0] =	vst.idx.msk $0xffff, v6  }
.LBB2_28:
0x256: {  	[tilespmem:v4+s16+$0x0] =	vst.idx.msk $0xffff, v5;
	s1 =	sadd.s32 $0x10, s1;
	s2 =	sadd.s32 $0x10, s2;
	s0 =	sadd.s32 $0x10, s0  }
0x257: {  	p0 =	sne.s32 s11, $0x7F0;
	s6 =	smov.u32 s11;
	s11 =	sadd.s32 $0x10, s11;
	[tilespmem:v3+s16+$0x0] =	vst.idx.msk $0xffff, v2  }
0x258: {  	v2 =	vld [tilespmem:s0+$0x0]  }
0x259: {  	v3 =	vld [tilespmem:s1+$0x0]  }
0x25a: {  	v4 =	vld [tilespmem:s2+$0x0];
	_ =	sdelay $0x2  }
0x25b: {  	v2 =	vmul.f32 $5.110000000e+02, v2  }
0x25c: {  	v3 =	vmul.f32 $5.110000000e+02, v3  }
0x25d: {  	v4 =	vmul.f32 $5.110000000e+02, v4;
	v5 =	vtrunc.f32 v2  }
0x25e: {  	v6 =	vtrunc.f32 v3;
	v5 =	vcvt.f32.s32 v5  }
0x25f: {  	v6 =	vcvt.f32.s32 v6;
	v7 =	vtrunc.f32 v4  }
0x260: {  	v7 =	vcvt.f32.s32 v7;
	vm0 =	vlt.s32 v5, $0x1FE  }
0x261: {  	v8 =	vmov s6;
	vm1 =	vlt.s32 v6, $0x1FE;
	v5 =	vnsel vm0, $0x1FE, v5  }
0x262: {  	v6 =	vnsel vm1, $0x1FE, v6;
	vm0 =	vlt.s32 v7, $0x1FE;
	v9 =	vcvt.s32.f32 v5  }
0x263: {  	v8 =	vshll.u32 v8, $0x3;
	v7 =	vnsel vm0, $0x1FE, v7;
	v10 =	vcvt.s32.f32 v6  }
0x264: {  	v6 =	vshll.u32 v6, $0x12;
	v11 =	vcvt.s32.f32 v7;
	v7 =	vshll.u32 v7, $0x9  }
0x265: {  	v3 =	vsub.f32 v3, v10;
	v6 =	vadd.s32 v6, v7;
	v7 =	vor.u32 v1, v8  }
0x266: {  	v8 =	vsub.f32 v2, v9;
	v4 =	vsub.f32 v4, v11;
	v9 =	vor.u32 $0x1, v7  }
0x267: {  	s6 =	sand.u32 $0x7F0, s6;
	v5 =	vadd.s32 v5, v6;
	[tilespmem:s12+$0x0] =	vst v3;
	v3 =	vor.u32 $0x2, v7  }
0x268: {  	v6 =	vor.u32 $0x3, v7;
	v2 =	vadd.s32 $0x40201, v5;
	[tilespmem:s6+$0x1A000] =	vst v4  }
0x269: {  	[tilespmem:s6+$0x1A800] =	vst v8;
	v8 =	vor.u32 $0x4, v7  }
0x26a: {  	v10 =	vor.u32 $0x5, v7;
	v4 =	vadd.s32 $0x1, v5;
	[tilespmem:v7+s16+$0x0] =	vst.idx.msk $0xffff, v5  }
.Ltmp13:
0x26b: {  	[tilespmem:v9+s16+$0x0] =	vst.idx.msk $0xffff, v4;
	v9 =	vadd.s32 $0x200, v5;
	v4 =	vor.u32 $0x6, v7;
	(pc) =	sbr.rel @p0 .LBB2_28-.Ltmp13, $4  }
0x26c: {  	[tilespmem:v3+s16+$0x0] =	vst.idx.msk $0xffff, v9;
	v9 =	vadd.s32 $0x201, v5;
	v3 =	vor.u32 $0x7, v7  }
0x26d: {  	[tilespmem:v6+s16+$0x0] =	vst.idx.msk $0xffff, v9;
	v6 =	vadd.s32 $0x40000, v5  }
0x26e: {  	[tilespmem:v8+s16+$0x0] =	vst.idx.msk $0xffff, v6;
	v6 =	vadd.s32 $0x40001, v5  }
0x26f: {  	s12 =	sadd.s32 $0x10, s12;
	v5 =	vadd.s32 $0x40200, v5;
	[tilespmem:v10+s16+$0x0] =	vst.idx.msk $0xffff, v6  }
0x270: {  	_ =	sdelay $0x3  }
0x271: {  	[tilespmem:v4+s16+$0x0] =	vst.idx.msk $0xffff, v5  }
0x272: {  	[tilespmem:v3+s16+$0x0] =	vst.idx.msk $0xffff, v2  }
0x273: {  	[tilespmem:s17], [sflag:$0x1] =	stream.indirect.gather [hbm4b:s5+s13], $0x1, s16, s13, $0xb8;
	[tilespmem:$0x1D000] =	vst v63  }
.LBB2_30:
0x274: {  	s0 =	simm.s32 $0x0  }
0x275: {  	v2 =	vmov s0  }
0x276: {  	v2 =	vshll.u32 v2, $0x3  }
0x277: {  	v2 =	vor.u32 v1, v2  }
0x278: {  	v3 =	vor.u32 $0x1, v2  }
0x279: {  	_ =	swait.ge [sflag:s23], $0x4000;
	v4 =	vor.u32 $0x2, v2  }
0x27a: {  	[sflag:s23] =	ssyncset.done $0x0;
	v5 =	vor.u32 $0x3, v2  }
0x27b: {  	[sflag:s23] =	ssyncadd.s32 $0xFFFFC000;
	v6 =	vor.u32 $0x4, v2  }
0x27c: {  	v8 =	vor.u32 $0x5, v2;
	v7 =	vld.idx.msk [tilespmem:v2+s19+$0x0], $0xffff  }
0x27d: {  	v9 =	vor.u32 $0x6, v2;
	v3 =	vld.idx.msk [tilespmem:v3+s19+$0x0], $0xffff  }
0x27e: {  	v2 =	vor.u32 $0x7, v2;
	v4 =	vld.idx.msk [tilespmem:v4+s19+$0x0], $0xffff  }
0x27f: {  	v5 =	vld.idx.msk [tilespmem:v5+s19+$0x0], $0xffff  }
0x280: {  	v6 =	vld.idx.msk [tilespmem:v6+s19+$0x0], $0xffff  }
0x281: {  	v8 =	vld.idx.msk [tilespmem:v8+s19+$0x0], $0xffff  }
0x282: {  	v9 =	vld.idx.msk [tilespmem:v9+s19+$0x0], $0xffff  }
0x283: {  	s0 =	sand.u32 $0x7F0, s0;
	v2 =	vld.idx.msk [tilespmem:v2+s19+$0x0], $0xffff  }
0x284: {  	v10 =	vld [tilespmem:s0+$0x1C000];
	_ =	sdelay $0x2  }
0x285: {  	v3 =	vsub.f32 v3, v7;
	v5 =	vsub.f32 v5, v4  }
0x286: {  	v8 =	vsub.f32 v8, v6;
	v2 =	vsub.f32 v2, v9  }
0x287: {  	v3 =	vmul.f32 v3, v10;
	v5 =	vmul.f32 v5, v10  }
0x288: {  	v8 =	vmul.f32 v8, v10;
	v2 =	vmul.f32 v2, v10  }
0x289: {  	v63 =	vld [tilespmem:s0+$0x1B800];
	v3 =	vadd.f32 v3, v7;
	v4 =	vadd.f32 v5, v4  }
0x28a: {  	v5 =	vadd.f32 v8, v6;
	v2 =	vadd.f32 v2, v9;
	_ =	sdelay $0x1  }
0x28b: {  	v4 =	vsub.f32 v4, v3;
	v2 =	vsub.f32 v2, v5;
	_ =	sdelay $0x1  }
0x28c: {  	s0 =	simm.s32 $0x1B000;
	v4 =	vmul.f32 v4, v63;
	v2 =	vmul.f32 v2, v63  }
0x28d: {  	v6 =	vld [tilespmem:s0+$0x0]  }
0x28e: {  	v3 =	vadd.f32 v4, v3;
	v2 =	vadd.f32 v2, v5;
	_ =	sdelay $0x1  }
0x28f: {  	s2 =	simm.s32 $0x10;
	v2 =	vsub.f32 v2, v3  }
0x290: {  	v4 =	vmov s2  }
0x291: {  	v5 =	vmul.f32 v2, v6;
	v2 =	vshll.u32 v4, $0x3  }
0x292: {  	v2 =	vor.u32 v1, v2  }
0x293: {  	v6 =	vor.u32 $0x1, v2  }
0x294: {  	v7 =	vadd.f32 v5, v3;
	v4 =	vor.u32 $0x2, v2  }
0x295: {  	s1 =	simm.s32 $0x1C800;
	v3 =	vor.u32 $0x3, v2  }
0x296: {  	s11 =	simm.s32 $0x20;
	v5 =	vor.u32 $0x4, v2;
	[tilespmem:s1+$0x0] =	vst v7  }
.LBB2_31:
0x297: {  	p0 =	sne.s32 s11, $0x7F0;
	v7 =	vld.idx.msk [tilespmem:v2+s19+$0x0], $0xffff;
	v8 =	vor.u32 $0x5, v2  }
0x298: {  	v9 =	vor.u32 $0x6, v2;
	v6 =	vld.idx.msk [tilespmem:v6+s19+$0x0], $0xffff  }
0x299: {  	v2 =	vor.u32 $0x7, v2;
	v4 =	vld.idx.msk [tilespmem:v4+s19+$0x0], $0xffff  }
0x29a: {  	v3 =	vld.idx.msk [tilespmem:v3+s19+$0x0], $0xffff  }
0x29b: {  	v5 =	vld.idx.msk [tilespmem:v5+s19+$0x0], $0xffff  }
0x29c: {  	v8 =	vld.idx.msk [tilespmem:v8+s19+$0x0], $0xffff  }
0x29d: {  	v9 =	vld.idx.msk [tilespmem:v9+s19+$0x0], $0xffff  }
0x29e: {  	v2 =	vld.idx.msk [tilespmem:v2+s19+$0x0], $0xffff  }
0x29f: {  	s6 =	sand.u32 $0x7F0, s2;
	s2 =	smov.u32 s11  }
0x2a0: {  	v10 =	vld [tilespmem:s6+$0x1C000];
	_ =	sdelay $0x2  }
0x2a1: {  	v6 =	vsub.f32 v6, v7;
	v3 =	vsub.f32 v3, v4  }
0x2a2: {  	v8 =	vsub.f32 v8, v5;
	v2 =	vsub.f32 v2, v9  }
0x2a3: {  	v6 =	vmul.f32 v6, v10;
	v3 =	vmul.f32 v3, v10  }
0x2a4: {  	v8 =	vmul.f32 v8, v10;
	v2 =	vmul.f32 v2, v10  }
0x2a5: {  	v10 =	vld [tilespmem:s6+$0x1B800];
	v6 =	vadd.f32 v6, v7;
	v3 =	vadd.f32 v3, v4  }
0x2a6: {  	v4 =	vadd.f32 v8, v5;
	v2 =	vadd.f32 v2, v9;
	_ =	sdelay $0x1  }
0x2a7: {  	v3 =	vsub.f32 v3, v6;
	v2 =	vsub.f32 v2, v4;
	_ =	sdelay $0x1  }
0x2a8: {  	s0 =	sadd.s32 $0x10, s0;
	v3 =	vmul.f32 v3, v10;
	v2 =	vmul.f32 v2, v10  }
0x2a9: {  	v5 =	vld [tilespmem:s0+$0x0]  }
0x2aa: {  	v3 =	vadd.f32 v3, v6;
	v2 =	vadd.f32 v2, v4;
	_ =	sdelay $0x1  }
0x2ab: {  	v4 =	vmov s11;
	v6 =	vsub.f32 v2, v3  }
0x2ac: {  	v2 =	vshll.u32 v4, $0x3  }
.Ltmp14:
0x2ad: {  	v2 =	vor.u32 v1, v2;
	v5 =	vmul.f32 v6, v5;
	(pc) =	sbr.rel @p0 .LBB2_31-.Ltmp14, $4  }
0x2ae: {  	v6 =	vor.u32 $0x1, v2  }
0x2af: {  	v4 =	vor.u32 $0x2, v2;
	v7 =	vadd.f32 v5, v3  }
0x2b0: {  	s1 =	sadd.s32 $0x10, s1;
	v3 =	vor.u32 $0x3, v2  }
0x2b1: {  	s11 =	sadd.s32 $0x10, s11;
	v5 =	vor.u32 $0x4, v2;
	[tilespmem:s1+$0x0] =	vst v7  }
0x2b2: {  	_ =	sdelay $0x3  }
0x2b3: {  	v7 =	vld.idx.msk [tilespmem:v2+s19+$0x0], $0xffff;
	v8 =	vor.u32 $0x5, v2  }
0x2b4: {  	v6 =	vld.idx.msk [tilespmem:v6+s19+$0x0], $0xffff;
	v9 =	vor.u32 $0x6, v2  }
0x2b5: {  	v4 =	vld.idx.msk [tilespmem:v4+s19+$0x0], $0xffff;
	v2 =	vor.u32 $0x7, v2  }
0x2b6: {  	v3 =	vld.idx.msk [tilespmem:v3+s19+$0x0], $0xffff  }
0x2b7: {  	v5 =	vld.idx.msk [tilespmem:v5+s19+$0x0], $0xffff  }
0x2b8: {  	v8 =	vld.idx.msk [tilespmem:v8+s19+$0x0], $0xffff  }
0x2b9: {  	v9 =	vld.idx.msk [tilespmem:v9+s19+$0x0], $0xffff  }
0x2ba: {  	s2 =	sand.u32 $0x7F0, s2;
	v2 =	vld.idx.msk [tilespmem:v2+s19+$0x0], $0xffff  }
0x2bb: {  	v10 =	vld [tilespmem:s2+$0x1C000];
	_ =	sdelay $0x2  }
0x2bc: {  	v6 =	vsub.f32 v6, v7;
	v3 =	vsub.f32 v3, v4  }
0x2bd: {  	v8 =	vsub.f32 v8, v5;
	v2 =	vsub.f32 v2, v9  }
0x2be: {  	v6 =	vmul.f32 v6, v10;
	v3 =	vmul.f32 v3, v10  }
0x2bf: {  	v8 =	vmul.f32 v8, v10;
	v2 =	vmul.f32 v2, v10  }
0x2c0: {  	v61 =	vld [tilespmem:s2+$0x1B800];
	v6 =	vadd.f32 v6, v7;
	v3 =	vadd.f32 v3, v4  }
0x2c1: {  	v62 =	vadd.f32 v8, v5;
	v2 =	vadd.f32 v2, v9;
	_ =	sdelay $0x1  }
0x2c2: {  	v3 =	vsub.f32 v3, v6;
	v2 =	vsub.f32 v2, v62;
	_ =	sdelay $0x1  }
0x2c3: {  	s0 =	sadd.s32 $0x10, s0;
	v3 =	vmul.f32 v3, v61;
	v2 =	vmul.f32 v2, v61  }
0x2c4: {  	v63 =	vld [tilespmem:s0+$0x0]  }
0x2c5: {  	v3 =	vadd.f32 v3, v6;
	v2 =	vadd.f32 v2, v62;
	_ =	sdelay $0x1  }
0x2c6: {  	v2 =	vsub.f32 v2, v3;
	_ =	sdelay $0x1  }
0x2c7: {  	v2 =	vmul.f32 v2, v63;
	_ =	sdelay $0x1  }
0x2c8: {  	s25 =	sadd.s32 $0x10, s1;
	s26 =	sadd.s32 $0x1, s26;
	v2 =	vadd.f32 v2, v3  }
0x2c9: {  	s29 =	sshrl.u32 s28, $0x3;
	s30 =	rddreg [dreg:$0x1];
	p0 =	sne.s32 s26, $0x10  }
.Ltmp15:
0x2ca: {  	s31 =	simm.s32 $0x1C800;
	s0 =	sadd.s32 s30, s29;
	[tilespmem:s25+$0x0] =	vst v2;
	(pc) =	sbr.rel @p0 .LBB2_10-.Ltmp15, $4  }
0x2cb: {  	[hbm4b:s0+s3] =	stream.linear.scatter [tilespmem:s31], [sflag:$0x5], $0x800, $0x38;
	[tilespmem:$0x1D000] =	vst v63  }
0x2cc: {  	_ =	swait.ge [sflag:s22], $0x800  }
0x2cd: {  	[sflag:s22] =	ssyncset.done $0x0  }
0x2ce: {  	[sflag:s22] =	ssyncadd.s32 $0xFFFFF800  }
0x2cf: {  	s1 =	rddreg [dreg:$0x8]  }
0x2d0: {  	s0 =	rddreg [dreg:$0x7];
	s1 =	sadd.s32 $0x1, s1  }
0x2d1: {  	p0 =	sne.s32 s1, s0  }
.Ltmp16:
0x2d2: {  	_ = 	snop;
	(pc) =	sbr.rel @p0 .LBB2_1-.Ltmp16, $2  }
0x2d3: {  	_ =	sdelay $0x2  }
0x2d4: {  	s10 =	rddreg [dreg:$0x4]  }
0x2d5: {  	_ =	sfence.sel $0x180000  }
0x2d6: {  	[bflag:$0x0] =	sbarrier.arrive $0xFFFF  }
0x2d7: {  	_ =	strace $0x9000004A  }
0x2d8: {  	s0 =	stileid.u32;
	[bflag:$0x2] =	sbarrier.arrive $0xFFFF  }
0x2d9: {  	p0 =	sne.s32 s0, $0x0;
	s0 =	rddreg [dreg:$0x2]  }
0x2da: {  	s0 =	sadd.s32 @!p0 $0x100000, s0  }
0x2db: {  	[sflag:s0] =	ssyncadd.tile.s32 @!p0 $0x1;
	_ =	shalt  }
.Lfunc_end2:
_tile_overlayer_lowered:
.L_overlay_start_2:
0x2dc: {  	(tag) =	ssettag $0x2  }
0x2dd: {  	s0 =	rddreg [dreg:$0x0];
	s2 =	stileid.u32  }
0x2de: {  	s1 =	rddreg [dreg:$0x1];
	p0 =	sne.s32 s2, $0x0  }
0x2df: {  	s3 =	rddreg [dreg:$0x2];
	[bflag:$0x3] =	sbarrier.arrive $0xFFFF;
	s2 =	simm.s32 @!p0 $0x1C05  }
0x2e0: {  	[timem:s3], [sflag:s2] =	dma.local @!p0 [hbm:s0], s1  }
0x2e1: {  	s0 =	simm.s32 @!p0 $0x5  }
0x2e2: {  	_ =	swait.ge @!p0 [sflag:s0], s1  }
0x2e3: {  	s1 =	ssub.s32 @!p0 $0x0, s1;
	[sflag:s0] =	ssyncset.done @!p0 $0x0  }
0x2e4: {  	[sflag:s0] =	ssyncadd.s32 @!p0 s1  }
0x2e5: {  	[bflag:$0x3] =	sbarrier.arrive $0xFFFF  }
0x2e6: {  	_ =	shalt  }

// kernel: sparse-core-data-format-call.cloned.1.call-start
scs
called_computation_lowered:
.L_overlay_start_0:
0x0: {  	s2 =	sld [smem:$0x3FD9]  }
0x1: {  	s3 =	sld [smem:$0x3FFE];
	_ =	sdelay $0x1  }
0x2: {  	s1 =	srdreg.scid  }
0x3: {  	s0 =	sand.u32 $0x1, s1  }
0x4: {  	s18 =	sshll.u32 s0, $0xA;
	s2 =	sadd.s32 s3, s2  }
0x5: {  	s2 =	sadd.s32 s2, s18  }
0x6: {  	[smem:$0x3FC6] =	sst s2  }
0x7: {  	_ = 	snop  }
0x8: {  	s2 =	sld [smem:$0x3FC8];
	(tm) =	ssettm $0x1  }
0x9: {  	s19 =	sld [smem:$0x3FFB];
	_ =	sdelay $0x3  }
0xa: {  	_ =	strace s19  }
0xb: {  	s3 =	sld [smem:$0x3FFC];
	_ =	sdelay $0x3  }
0xc: {  	_ =	strace s3  }
0xd: {  	s3 =	sld [smem:$0x3FFD];
	_ =	sdelay $0x3  }
0xe: {  	_ =	strace s3  }
0xf: {  	_ =	strace $0x8FFFFFFF  }
0x10: {  	s20 =	sld [smem:$0x3FDB];
	_ =	sdelay $0x1  }
0x11: {  	s4 =	simm.s32 $_scs_section_size  }
0x12: {  	s5 =	simm.s32 $_size__tile_overlayer_lowered;
	s6 =	simm.s32 $_tile_overlayer_lowered  }
0x13: {  	s23 =	simm.s32 $0x1BFF;
	s22 =	sshll.u32 s6, $0x1;
	s3 =	sadd.s32 s4, s20  }
0x14: {  	s7 =	simm.s32 $0x0;
	s21 =	sshll.u32 s5, $0x1;
	s5 =	sadd.s32 s22, s3  }
0x15: {  	[timem:s7], [sflag:s23] =	dma.local [hbm:s5], s21  }
0x16: {  	_ =	swait.ge [sflag:s23], s21  }
0x17: {  	s4 =	ssub.s32 $0x0, s21;
	[sflag:s23] =	ssyncset.done $0x0  }
0x18: {  	[sflag:s23] =	ssyncadd.s32 s4;
	_ =	sdelay $0x1  }
0x19: {  	s24 =	simm.s32 $0x1B8B  }
0x1a: {  	_ =	swait.ge [sflag:s24], $0x1  }
0x1b: {  	[sflag:s24] =	ssyncset.done $0x0  }
0x1c: {  	s26 =	simm.s32 $0x1B8E;
	s25 =	sld [smem:$0x3FFE];
	[sflag:s24] =	ssyncadd.s32 $0xFFFFFFFF  }
0x1d: {  	s27 =	simm.s32 $execute0_lowered;
	[smem:$0x3FD2] =	sst s26  }
0x1e: {  	s5 =	sshll.u32 s27, $0x1;
	_ =	strace $0x80000046;
	[dreg:$0x1] =	wrdreg $0xFFFFFFFF  }
0x1f: {  	s28 =	simm.s32 $_size_execute0_lowered;
	s3 =	sadd.s32 s3, s5;
	[dreg:$0x0] =	wrdreg $0x0  }
0x20: {  	s5 =	sshll.u32 s28, $0x1;
	[dreg:$0x2] =	wrdreg s3  }
0x21: {  	[dreg:$0x3] =	wrdreg s5  }
0x22: {  	[dreg:$0x4] =	wrdreg $0xC0  }
0x23: {  	_ =	task [dreg:s7], $0x5FFFF  }
0x24: {  	[dreg:$0x1] =	wrdreg $0xFFFFFFFF  }
0x25: {  	[dreg:$0x0] =	wrdreg $0x60  }
0x26: {  	[dreg:$0x2] =	wrdreg s2  }
0x27: {  	[dreg:$0x3] =	wrdreg s25  }
0x28: {  	[dreg:$0x4] =	wrdreg $0x9  }
0x29: {  	_ =	task.clear_ibuf [dreg:s7], $0x5FFFF;
	_ =	strace $0x90000046  }
0x2a: {  	s29 =	simm.s32 $0x9;
	_ =	strace $0x80000048  }
0x2b: {  	_ =	swait.ge [sflag:s29], $0x1  }
0x2c: {  	[sflag:s29] =	ssyncadd.s32 $0xFFFFFFFF  }
0x2d: {  	_ =	strace $0x90000048  }
0x2e: {  	_ =	sfence  }
0x2f: {  	s30 =	sld [smem:$0x0];
	_ =	sdelay $0x2  }
0x30: {  	s31 =	sshll.u32 s1, $0xD;
	s1 =	sshrl.u32 s1, $0x2  }
0x31: {  	s3 =	sand.u32 $0x4000, s31;
	s1 =	sadd.s32 s1, s30  }
0x32: {  	s0 =	sor.u32 s3, s0;
	s1 =	sshll.u32 s1, $0x11  }
0x33: {  	s0 =	sor.u32 s1, s0  }
0x34: {  	s0 =	sadd.s32 $0x8F2B, s0  }
0x35: {  	[sflag:s0] =	ssyncadd.remote.s32 $0x1  }
0x36: {  	_ =	sfence.sel $0xFFFF  }
0x37: {  	[dreg:$0x0] =	wrdreg $0xFFFFFFFF;
	(pc) =	sbr.abs _section_cstart, $3  }
0x38: {  	[dreg:$0x1] =	wrdreg $0xFFFFFFFF  }
0x39: {  	_ =	task.clear_ibuf [dreg:s7], $0x2FFFF;
	_ =	strace $0x9FFFFFFF  }
0x3a: {  	(tm) =	ssettm $0x7FFFFFFF  }
0x3b: {  	_ =	shalt  }
tec
execute0_lowered:
.L_overlay_start_1:
0x0: {  	(tag) =	ssettag $0x1  }
0x1: {  	s0 =	srdreg.scid  }
0x2: {  	s1 =	sshll.u32 s0, $0x4  }
0x3: {  	s2 =	rddreg [dreg:$0x0];
	s0 =	stileid.u32;
	s1 =	sand.u32 $0x10, s1  }
0x4: {  	s4 =	rddreg [dreg:$0x1];
	s7 =	simm.s32 $0x1;
	s1 =	sor.u32 s0, s1  }
0x5: {  	s8 =	simm.s32 $0x2;
	s9 =	simm.s32 $0x0;
	s3 =	sshll.u32 s1, $0x2  }
0x6: {  	s12 =	simm.s32 $0x0;
	s11 =	simm.s32 $0x0;
	s6 =	ssub.s32 $0x8000, s3  }
.Ltmp0:
0x7: {  	s4 =	sadd.s32 $0x800, s4;
	s5 =	sand.u32 $0x7C, s6;
	(pc) =	sbr.rel .LBB1_1-.Ltmp0, $4  }
0x8: {  	s1 =	rddreg [dreg:$0x2];
	_ =	strace $0x80000047;
	p0 =	sne.s32 s5, $0x0  }
0x9: {  	s6 =	sshrl.u32 s6, $0x7;
	s5 =	simm.s32 $0x1;
	s7 =	simm.s32 @!p0 $0x0  }
0xa: {  	s10 =	smov.u32 s3;
	[sflag:s5] =	ssyncpa.u1 $0x0;
	s6 =	sadd.s32 s7, s6  }
0xb: {  	[sflag:s8] =	ssyncpa.u1 $0x0;
	s8 =	simm.s32 $0x0;
	s7 =	sadd.s32 $0x1, s6  }
.LBB1_9:
0xc: {  	s14 =	sadd.s32 $0x80, s10  }
0xd: {  	p1 =	sgt.s32 s14, $0x7FFF  }
0xe: {  	s14 =	smov.u32 @p1 s3;
	p1 =	sne.s32 s11, s7  }
.Ltmp1:
0xf: {  	p0 =	slt.u32 s11, $0x2;
	(pc) =	sbr.rel @!p1 .LBB1_10-.Ltmp1, $4  }
0x10: {  	s13 =	simm.s32 @!p0 $0x2  }
0x11: {  	s15 =	sadd.s32 $0x1, s11;
	_ =	swait.ge @!p0 [sflag:s13], $0x4000  }
0x12: {  	s12 =	smov.u32 s10;
	s9 =	sadd.s32 $0x4000, s9;
	[sflag:s13] =	ssyncset.done @!p0 $0x0  }
0x13: {  	s11 =	smov.u32 s15;
	s10 =	smov.u32 s14;
	[sflag:s13] =	ssyncadd.s32 @!p0 $0xFFFFC000  }
.LBB1_1:
0x14: {  	p0 =	sge.u32 s11, s6  }
0x15: {  	s13 =	sxor.u32 @!p0 $0xFFFFFFFF, s11  }
0x16: {  	s31 =	sadd.s32 $0xFFFFFFFF, s11;
	s14 =	sshll.u32 @!p0 s10, $0x9;
	s13 =	sshll.u32 @!p0 s13, $0xE  }
0x17: {  	s15 =	simm.s32 @!p0 $0x0;
	s14 =	sadd.s32 @!p0 s2, s14;
	s13 =	sand.u32 @!p0 $0x4000, s13  }
0x18: {  	[tilespmem:s13], [sflag:$0x1] =	stream.linear.gather @!p0 [hbm4b:s14+s15], $0x4000, $0x38;
	[tilespmem:$0x10000] =	vst v63  }
0x19: {  	p0 =	sge.u32 s31, s6  }
.Ltmp2:
0x1a: {  	_ = 	snop;
	(pc) =	sbr.rel @p0 .LBB1_9-.Ltmp2, $1  }
0x1b: {  	_ =	sdelay $0x3  }
0x1c: {  	s14 =	sand.u32 $0x4000, s9  }
0x1d: {  	_ =	swait.ge [sflag:s5], $0x4000;
	s15 =	sshll.u32 s11, $0xE;
	s16 =	simm.s32 $0x0  }
0x1e: {  	s13 =	sor.u32 $0x40, s14;
	[sflag:s5] =	ssyncset.done $0x0;
	s15 =	sand.u32 $0x4000, s15  }
0x1f: {  	s14 =	sor.u32 $0x8040, s14;
	[sflag:s5] =	ssyncadd.s32 $0xFFFFC000;
	s15 =	sor.u32 $0x8000, s15  }
.LBB1_3:
0x20: {  	s17 =	smov.u32 s14;
	s18 =	smov.u32 s13;
	s19 =	simm.s32 $0x0  }
.LBB1_4:
0x21: {  	v0 =	vmov s17;
	v2 =	vld [tilespmem:s18+$0x30]  }
0x22: {  	v4 =	vld [tilespmem:s18+$0xFFFFFFD0]  }
0x23: {  	v6 =	vld [tilespmem:s18+$0xFFFFFFE0]  }
0x24: {  	v7 =	vld [tilespmem:s18+$0xFFFFFFF0]  }
0x25: {  	s20 =	simm.s32 $0x0;
	v1 =	vld [tilespmem:s18+$0x0]  }
0x26: {  	v3 =	vld [tilespmem:s18+$0x10];
	[tilespmem:v0+s20+$0x30 ss:$0x1] =	vst.idx.msk $0xffff, v2  }
0x27: {  	v5 =	vld [tilespmem:s18+$0x20];
	[tilespmem:v0+s20+$0xFFFFFFD0 ss:$0x1] =	vst.idx.msk $0xffff, v4  }
0x28: {  	s21 =	sadd.s32 $0x80, s18;
	v2 =	vld [tilespmem:s18+$0xFFFFFFC0];
	[tilespmem:v0+s20+$0xFFFFFFE0 ss:$0x1] =	vst.idx.msk $0xffff, v6  }
0x29: {  	s22 =	simm.s32 $0x800;
	s23 =	simm.s32 $0x1000;
	v4 =	vld [tilespmem:s21+$0x30];
	[tilespmem:v0+s20+$0xFFFFFFF0 ss:$0x1] =	vst.idx.msk $0xffff, v7  }
.LBB1_5:
0x2a: {  	p0 =	sne.s32 s23, $0x3800;
	v6 =	vld [tilespmem:s21+$0xFFFFFFD0];
	[tilespmem:v0+s20+$0x0 ss:$0x1] =	vst.idx.msk $0xffff, v1  }
0x2b: {  	v7 =	vld [tilespmem:s21+$0xFFFFFFE0];
	[tilespmem:v0+s20+$0x10 ss:$0x1] =	vst.idx.msk $0xffff, v3  }
0x2c: {  	v8 =	vld [tilespmem:s21+$0xFFFFFFF0];
	[tilespmem:v0+s20+$0x20 ss:$0x1] =	vst.idx.msk $0xffff, v5  }
.Ltmp3:
0x2d: {  	v1 =	vld [tilespmem:s21+$0x0];
	[tilespmem:v0+s20+$0xFFFFFFC0 ss:$0x1] =	vst.idx.msk $0xffff, v2;
	s20 =	sshra.s32 s22, $0x2;
	s22 =	smov.u32 s23;
	(pc) =	sbr.rel @p0 .LBB1_5-.Ltmp3, $4  }
0x2e: {  	v3 =	vld [tilespmem:s21+$0x10];
	[tilespmem:v0+s20+$0x30 ss:$0x1] =	vst.idx.msk $0xffff, v4  }
0x2f: {  	[tilespmem:v0+s20+$0xFFFFFFD0 ss:$0x1] =	vst.idx.msk $0xffff, v6;
	v5 =	vld [tilespmem:s21+$0x20]  }
0x30: {  	v2 =	vld [tilespmem:s21+$0xFFFFFFC0];
	[tilespmem:v0+s20+$0xFFFFFFE0 ss:$0x1] =	vst.idx.msk $0xffff, v7;
	s21 =	sadd.s32 $0x80, s21  }
0x31: {  	s23 =	sadd.s32 $0x800, s23;
	v4 =	vld [tilespmem:s21+$0x30];
	[tilespmem:v0+s20+$0xFFFFFFF0 ss:$0x1] =	vst.idx.msk $0xffff, v8  }
0x32: {  	_ =	sdelay $0x3  }
0x33: {  	v6 =	vld [tilespmem:s21+$0xFFFFFFD0];
	[tilespmem:v0+s20+$0x0 ss:$0x1] =	vst.idx.msk $0xffff, v1  }
0x34: {  	v58 =	vld [tilespmem:s21+$0xFFFFFFE0];
	[tilespmem:v0+s20+$0x10 ss:$0x1] =	vst.idx.msk $0xffff, v3  }
0x35: {  	v59 =	vld [tilespmem:s21+$0xFFFFFFF0];
	[tilespmem:v0+s20+$0x20 ss:$0x1] =	vst.idx.msk $0xffff, v5  }
0x36: {  	s22 =	sshra.s32 s22, $0x2;
	v60 =	vld [tilespmem:s21+$0x0];
	[tilespmem:v0+s20+$0xFFFFFFC0 ss:$0x1] =	vst.idx.msk $0xffff, v2  }
0x37: {  	v61 =	vld [tilespmem:s21+$0x10];
	[tilespmem:v0+s22+$0x30 ss:$0x1] =	vst.idx.msk $0xffff, v4  }
0x38: {  	v62 =	vld [tilespmem:s21+$0x20];
	s19 =	sadd.s32 $0x1, s19;
	[tilespmem:v0+s22+$0xFFFFFFD0 ss:$0x1] =	vst.idx.msk $0xffff, v6  }
0x39: {  	v63 =	vld [tilespmem:s21+$0xFFFFFFC0];
	p0 =	sne.s32 s19, $0x4;
	[tilespmem:v0+s22+$0xFFFFFFE0 ss:$0x1] =	vst.idx.msk $0xffff, v58  }
.Ltmp4:
0x3a: {  	[tilespmem:v0+s22+$0xFFFFFFF0 ss:$0x1] =	vst.idx.msk $0xffff, v59;
	(pc) =	sbr.rel @p0 .LBB1_4-.Ltmp4, $4  }
0x3b: {  	[tilespmem:v0+s22+$0x0 ss:$0x1] =	vst.idx.msk $0xffff, v60  }
0x3c: {  	[tilespmem:v0+s22+$0x10 ss:$0x1] =	vst.idx.msk $0xffff, v61  }
0x3d: {  	[tilespmem:v0+s22+$0x20 ss:$0x1] =	vst.idx.msk $0xffff, v62  }
0x3e: {  	s18 =	sadd.s32 $0x400, s18;
	s17 =	sadd.s32 $0x80, s17;
	[tilespmem:v0+s22+$0xFFFFFFC0 ss:$0x1] =	vst.idx.msk $0xffff, v63  }
0x3f: {  	s16 =	sadd.s32 $0x1, s16  }
0x40: {  	p0 =	sne.s32 s16, $0x4  }
.Ltmp5:
0x41: {  	_ = 	snop;
	(pc) =	sbr.rel @p0 .LBB1_3-.Ltmp5, $2  }
0x42: {  	_ =	sdelay $0x2  }
0x43: {  	s13 =	sadd.s32 $0x1000, s13;
	s14 =	sadd.s32 $0x1000, s14  }
.Ltmp6:
0x44: {  	(pc) =	sbr.rel .LBB1_9-.Ltmp6, $4  }
0x45: {  	_ = 	snop  }
0x46: {  	s12 =	sshll.u32 s12, $0x9  }
0x47: {  	s12 =	sadd.s32 s4, s12  }
0x48: {  	[hbm4b:s12+s8] =	stream.linear.scatter [tilespmem:s15], [sflag:$0x2], $0x4000, $0x38;
	[tilespmem:$0x10000] =	vst v63  }
.LBB1_10:
0x49: {  	_ =	sfence.sel $0x180000  }
0x4a: {  	s2 =	simm.s32 $0x1;
	[bflag:$0x0] =	sbarrier.arrive $0xFFFF  }
0x4b: {  	s31 =	simm.s32 $0x2;
	[sflag:s2] =	ssyncpa.u1 $0x1  }
0x4c: {  	[sflag:s31] =	ssyncpa.u1 $0x1  }
0x4d: {  	p0 =	sne.s32 s0, $0x0;
	_ =	strace $0x90000047  }
0x4e: {  	s0 =	sadd.s32 @!p0 $0x100000, s1;
	[bflag:$0x2] =	sbarrier.arrive $0xFFFF  }
0x4f: {  	[sflag:s0] =	ssyncadd.tile.s32 @!p0 $0x1;
	_ =	shalt  }
.Lfunc_end1:
_tile_overlayer_lowered:
.L_overlay_start_2:
0x50: {  	(tag) =	ssettag $0x2  }
0x51: {  	s0 =	rddreg [dreg:$0x0];
	s2 =	stileid.u32  }
0x52: {  	s1 =	rddreg [dreg:$0x1];
	p0 =	sne.s32 s2, $0x0  }
0x53: {  	s3 =	rddreg [dreg:$0x2];
	[bflag:$0x3] =	sbarrier.arrive $0xFFFF;
	s2 =	simm.s32 @!p0 $0x1C01  }
0x54: {  	[timem:s3], [sflag:s2] =	dma.local @!p0 [hbm:s0], s1  }
0x55: {  	s0 =	simm.s32 @!p0 $0x1  }
0x56: {  	_ =	swait.ge @!p0 [sflag:s0], s1  }
0x57: {  	s1 =	ssub.s32 @!p0 $0x0, s1;
	[sflag:s0] =	ssyncset.done @!p0 $0x0  }
0x58: {  	[sflag:s0] =	ssyncadd.s32 @!p0 s1  }
0x59: {  	[bflag:$0x3] =	sbarrier.arrive $0xFFFF  }
0x5a: {  	_ =	shalt  }

</sc_bundles>
